<compile_context>
chip_gen: v7x
topology: tpu7x:2x2x1
jax: 0.10.2.dev20260603
libtpu: 0.0.44.dev20260713+nightly
codegen_flags: <defaults>
</compile_context>

<pallas_src>
import jax
import jax.numpy as jnp
from jax import lax
from jax.experimental import pallas as pl
from jax.experimental.pallas import tpu as pltpu
from jax.experimental.pallas import tpu_sc as plsc

D_MODEL = 64
LANES = 128
G = 5
NBUF = 2


def _gather_body(table_hbm, idx_hbm, out_hbm, idx_v, rows_v,
                 gsem0, gsem1, osem0, osem1):
    nc = 2
    wid = lax.axis_index("s") * nc + lax.axis_index("c")
    n_chunks = idx_v.shape[0]
    n_groups = n_chunks // G
    base_chunk = wid * n_chunks
    base_row = base_chunk * LANES
    rows_per_group = G * LANES
    gsems = (gsem0, gsem1)
    osems = (osem0, osem1)

    pltpu.sync_copy(idx_hbm.at[pl.ds(base_chunk, n_chunks)], idx_v)

    def fire_gather(g, b):
        for j in range(G):
            pltpu.async_copy(
                table_hbm.at[idx_v.at[g * G + j]],
                rows_v.at[b].at[pl.ds(j * LANES, LANES)],
                gsems[b])

    def wait_gather(b):
        for j in range(G):
            pltpu.make_async_copy(
                table_hbm.at[idx_v.at[j]],
                rows_v.at[b].at[pl.ds(j * LANES, LANES)],
                gsems[b]).wait()

    def fire_out(g, b):
        pltpu.async_copy(
            rows_v.at[b],
            out_hbm.at[pl.ds(base_row + g * rows_per_group, rows_per_group)],
            osems[b])

    def wait_out(g, b):
        pltpu.make_async_copy(
            rows_v.at[b],
            out_hbm.at[pl.ds(base_row + g * rows_per_group, rows_per_group)],
            osems[b]).wait()

    fire_gather(0, 0)
    fire_gather(1, 1)

    def body(i, carry):
        for b in range(NBUF):
            g = NBUF * i + b
            wait_gather(b)
            fire_out(g, b)
            wait_out(g, b)
            fire_gather(g + NBUF, b)
        return carry

    lax.fori_loop(0, n_groups // NBUF - 1, body, 0)
    for b in range(NBUF):
        g = n_groups - NBUF + b
        wait_gather(b)
        fire_out(g, b)
        wait_out(g, b)


def kernel(data, table):
    s0, s1 = data.shape
    b = s0 * s1
    info = plsc.get_sparse_core_info()
    nw = info.num_cores * info.num_subcores
    n_chunks_total = b // LANES
    per_w = n_chunks_total // nw
    idx2d = data.reshape(n_chunks_total, LANES)

    mesh = plsc.VectorSubcoreMesh(core_axis_name="c", subcore_axis_name="s")
    out = pl.kernel(
        _gather_body,
        out_type=jax.ShapeDtypeStruct((b, D_MODEL), jnp.float32),
        mesh=mesh,
        compiler_params=pltpu.CompilerParams(use_tc_tiling_on_sc=False),
        scratch_types=[
            pltpu.VMEM((per_w, LANES), jnp.int32),
            pltpu.VMEM((NBUF, G * LANES, D_MODEL), jnp.float32),
            pltpu.SemaphoreType.DMA,
            pltpu.SemaphoreType.DMA,
            pltpu.SemaphoreType.DMA,
            pltpu.SemaphoreType.DMA,
        ],
    )(table, idx2d)
    return out.reshape(s0, s1, D_MODEL)

# --- scband reference (transcript-rebuilt; emitter-appended) ---
"""Pipeline reference for scband-embedding-8761733284581 (READ-ONLY COPY).

The authoritative reference and input builder live on the scoring server;
editing this copy changes nothing except your own understanding.
"""

import jax, jax.numpy as jnp
import numpy as np

NUM_TOKENS = 1000000
D_MODEL = 64

def setup_inputs(seed: int = 0) -> dict:
    key = jax.random.key(seed)
    k1, k2 = jax.random.split(key)
    data = jax.random.randint(k1, (16384, 50), 0, NUM_TOKENS, dtype=jnp.int64 if jax.config.jax_enable_x64 else jnp.int32)
    table = jax.random.normal(k2, (NUM_TOKENS, D_MODEL), dtype=jnp.float32)
    # padding_idx=0: PyTorch initializes the padding row to zeros
    table = table.at[0].set(0.0)
    return {"data": data, "table": table}

def reference(data, table):
    # nn.Embedding forward: gather rows of the table by index
    return jnp.take(table, data, axis=0)

if __name__ == "__main__":
    import jax
    _d = setup_inputs()
    print(jax.jit(kernel)(*tuple(_d.values())))

</pallas_src>

<mosaic_0001>
#map = affine_map<(d0, d1) -> (0, 0)>
module attributes {stable_mosaic.version = 14 : i64} {
  func.func @_gather_body(%arg0: i32, %arg1: i32, %arg2: memref<1000000x64xf32, #tpu.memory_space<hbm>>, %arg3: memref<6400x128xi32, #tpu.memory_space<hbm>>, %arg4: memref<819200x64xf32, #tpu.memory_space<hbm>>, %arg5: memref<200x128xi32, #tpu.memory_space<vmem>>, %arg6: memref<2x640x64xf32, #tpu.memory_space<vmem>>, %arg7: memref<!tpu.dma_semaphore, #tpu.memory_space<semaphore_mem>>, %arg8: memref<!tpu.dma_semaphore, #tpu.memory_space<semaphore_mem>>, %arg9: memref<!tpu.dma_semaphore, #tpu.memory_space<semaphore_mem>>, %arg10: memref<!tpu.dma_semaphore, #tpu.memory_space<semaphore_mem>>) attributes {dimension_semantics = [#tpu.dimension_semantics<core_parallel>, #tpu.dimension_semantics<subcore_parallel>], iteration_bounds = array<i64: 2, 16>, scalar_prefetch = 0 : i64, scratch_operands = 6 : i64, tpu.core_type = #tpu.core_type<sc_vector_subcore>, window_params = [{transform_indices = #map}, {transform_indices = #map}, {transform_indices = #map}]} {
    %mul3A = arith.constant 2 : i32
    %mul3A_0 = arith.muli %arg1, %mul3A : i32
    %add3A = arith.addi %mul3A_0, %arg0 : i32
    %mul3A_1 = arith.constant 200 : i32
    %mul3A_2 = arith.muli %add3A, %mul3A_1 : i32
    %mul3A_3 = arith.constant 128 : i32
    %mul3A_4 = arith.muli %mul3A_2, %mul3A_3 : i32
    "tpu.region"() ({
      %run_scoped3A = tpu.sem_alloc : memref<!tpu.dma_semaphore, #tpu.memory_space<semaphore_mem>>
      %dma_start3A_368 = arith.constant 0 : i32
      %dma_start3A_369 = tpu.memref_slice %arg3[%mul3A_2, %dma_start3A_368] : memref<6400x128xi32, #tpu.memory_space<hbm>> -> memref<200x128xi32, #tpu.memory_space<hbm>>
      %dma_start3A_370 = arith.constant 0 : i32
      %dma_start3A_371 = tpu.memref_slice %arg3[%mul3A_2, %dma_start3A_370] : memref<6400x128xi32, #tpu.memory_space<hbm>> -> memref<200x128xi32, #tpu.memory_space<hbm>>
      tpu.enqueue_dma source(%dma_start3A_371 : memref<200x128xi32, #tpu.memory_space<hbm>>) target(%arg5 : memref<200x128xi32, #tpu.memory_space<vmem>>) target_semaphore(%run_scoped3A : memref<!tpu.dma_semaphore, #tpu.memory_space<semaphore_mem>>)
      %dma_wait3A_372 = arith.constant 0 : i32
      %dma_wait3A_373 = tpu.memref_slice %arg3[%mul3A_2, %dma_wait3A_372] : memref<6400x128xi32, #tpu.memory_space<hbm>> -> memref<200x128xi32, #tpu.memory_space<hbm>>
      %dma_wait3A_374 = arith.constant 0 : i32
      %dma_wait3A_375 = tpu.memref_slice %arg3[%mul3A_2, %dma_wait3A_374] : memref<6400x128xi32, #tpu.memory_space<hbm>> -> memref<200x128xi32, #tpu.memory_space<hbm>>
      tpu.wait_dma2 semaphore(%run_scoped3A : memref<!tpu.dma_semaphore, #tpu.memory_space<semaphore_mem>>) src(%dma_wait3A_375 : memref<200x128xi32, #tpu.memory_space<hbm>>) dst(%arg5 : memref<200x128xi32, #tpu.memory_space<vmem>>)
      tpu.yield
    }) : () -> ()
    %dma_start3A = arith.constant 0 : i32
    %dma_start3A_5 = arith.constant 0 : i32
    %dma_start3A_6 = arith.constant 0 : i32
    %dma_start3A_7 = arith.constant 0 : i32
    %dma_start3A_8 = tpu.memref_slice %arg6[%dma_start3A_5, %dma_start3A_6, %dma_start3A_7] : memref<2x640x64xf32, #tpu.memory_space<vmem>> -> memref<1x640x64xf32, #tpu.memory_space<vmem>>
    %dma_start3A_9 = tpu.memref_squeeze %dma_start3A_8 : memref<1x640x64xf32, #tpu.memory_space<vmem>> -> memref<640x64xf32, #tpu.memory_space<vmem>>
    %dma_start3A_10 = arith.constant 0 : i32
    %dma_start3A_11 = arith.constant 0 : i32
    %dma_start3A_12 = tpu.memref_slice %dma_start3A_9[%dma_start3A_10, %dma_start3A_11] : memref<640x64xf32, #tpu.memory_space<vmem>> -> memref<128x64xf32, #tpu.memory_space<vmem>>
    %dma_start3A_13 = arith.constant 0 : i32
    %dma_start3A_14 = tpu.memref_slice %arg5[%dma_start3A, %dma_start3A_13] : memref<200x128xi32, #tpu.memory_space<vmem>> -> memref<1x128xi32, #tpu.memory_space<vmem>>
    %dma_start3A_15 = tpu.memref_squeeze %dma_start3A_14 : memref<1x128xi32, #tpu.memory_space<vmem>> -> memref<128xi32, #tpu.memory_space<vmem>>
    %dma_start3A_16 = arith.constant 0 : i32
    %dma_start3A_17 = arith.constant 0 : i32
    %dma_start3A_18 = tpu.memref_slice %arg2[%dma_start3A_16, %dma_start3A_17] : memref<1000000x64xf32, #tpu.memory_space<hbm>> -> memref<1000000x64xf32, #tpu.memory_space<hbm>>
    tpu.enqueue_indirect_dma source(%dma_start3A_18 : memref<1000000x64xf32, #tpu.memory_space<hbm>>) target(%dma_start3A_12 : memref<128x64xf32, #tpu.memory_space<vmem>>) offsets(%dma_start3A_15 : memref<128xi32, #tpu.memory_space<vmem>>) semaphore(%arg7 : memref<!tpu.dma_semaphore, #tpu.memory_space<semaphore_mem>>)
    %dma_start3A_19 = arith.constant 1 : i32
    %dma_start3A_20 = arith.constant 0 : i32
    %dma_start3A_21 = arith.constant 0 : i32
    %dma_start3A_22 = arith.constant 0 : i32
    %dma_start3A_23 = tpu.memref_slice %arg6[%dma_start3A_20, %dma_start3A_21, %dma_start3A_22] : memref<2x640x64xf32, #tpu.memory_space<vmem>> -> memref<1x640x64xf32, #tpu.memory_space<vmem>>
    %dma_start3A_24 = tpu.memref_squeeze %dma_start3A_23 : memref<1x640x64xf32, #tpu.memory_space<vmem>> -> memref<640x64xf32, #tpu.memory_space<vmem>>
    %dma_start3A_25 = arith.constant 128 : i32
    %dma_start3A_26 = arith.constant 0 : i32
    %dma_start3A_27 = tpu.memref_slice %dma_start3A_24[%dma_start3A_25, %dma_start3A_26] : memref<640x64xf32, #tpu.memory_space<vmem>> -> memref<128x64xf32, #tpu.memory_space<vmem>>
    %dma_start3A_28 = arith.constant 0 : i32
    %dma_start3A_29 = tpu.memref_slice %arg5[%dma_start3A_19, %dma_start3A_28] : memref<200x128xi32, #tpu.memory_space<vmem>> -> memref<1x128xi32, #tpu.memory_space<vmem>>
    %dma_start3A_30 = tpu.memref_squeeze %dma_start3A_29 : memref<1x128xi32, #tpu.memory_space<vmem>> -> memref<128xi32, #tpu.memory_space<vmem>>
    %dma_start3A_31 = arith.constant 0 : i32
    %dma_start3A_32 = arith.constant 0 : i32
    %dma_start3A_33 = tpu.memref_slice %arg2[%dma_start3A_31, %dma_start3A_32] : memref<1000000x64xf32, #tpu.memory_space<hbm>> -> memref<1000000x64xf32, #tpu.memory_space<hbm>>
    tpu.enqueue_indirect_dma source(%dma_start3A_33 : memref<1000000x64xf32, #tpu.memory_space<hbm>>) target(%dma_start3A_27 : memref<128x64xf32, #tpu.memory_space<vmem>>) offsets(%dma_start3A_30 : memref<128xi32, #tpu.memory_space<vmem>>) semaphore(%arg7 : memref<!tpu.dma_semaphore, #tpu.memory_space<semaphore_mem>>)
    %dma_start3A_34 = arith.constant 2 : i32
    %dma_start3A_35 = arith.constant 0 : i32
    %dma_start3A_36 = arith.constant 0 : i32
    %dma_start3A_37 = arith.constant 0 : i32
    %dma_start3A_38 = tpu.memref_slice %arg6[%dma_start3A_35, %dma_start3A_36, %dma_start3A_37] : memref<2x640x64xf32, #tpu.memory_space<vmem>> -> memref<1x640x64xf32, #tpu.memory_space<vmem>>
    %dma_start3A_39 = tpu.memref_squeeze %dma_start3A_38 : memref<1x640x64xf32, #tpu.memory_space<vmem>> -> memref<640x64xf32, #tpu.memory_space<vmem>>
    %dma_start3A_40 = arith.constant 256 : i32
    %dma_start3A_41 = arith.constant 0 : i32
    %dma_start3A_42 = tpu.memref_slice %dma_start3A_39[%dma_start3A_40, %dma_start3A_41] : memref<640x64xf32, #tpu.memory_space<vmem>> -> memref<128x64xf32, #tpu.memory_space<vmem>>
    %dma_start3A_43 = arith.constant 0 : i32
    %dma_start3A_44 = tpu.memref_slice %arg5[%dma_start3A_34, %dma_start3A_43] : memref<200x128xi32, #tpu.memory_space<vmem>> -> memref<1x128xi32, #tpu.memory_space<vmem>>
    %dma_start3A_45 = tpu.memref_squeeze %dma_start3A_44 : memref<1x128xi32, #tpu.memory_space<vmem>> -> memref<128xi32, #tpu.memory_space<vmem>>
    %dma_start3A_46 = arith.constant 0 : i32
    %dma_start3A_47 = arith.constant 0 : i32
    %dma_start3A_48 = tpu.memref_slice %arg2[%dma_start3A_46, %dma_start3A_47] : memref<1000000x64xf32, #tpu.memory_space<hbm>> -> memref<1000000x64xf32, #tpu.memory_space<hbm>>
    tpu.enqueue_indirect_dma source(%dma_start3A_48 : memref<1000000x64xf32, #tpu.memory_space<hbm>>) target(%dma_start3A_42 : memref<128x64xf32, #tpu.memory_space<vmem>>) offsets(%dma_start3A_45 : memref<128xi32, #tpu.memory_space<vmem>>) semaphore(%arg7 : memref<!tpu.dma_semaphore, #tpu.memory_space<semaphore_mem>>)
    %dma_start3A_49 = arith.constant 3 : i32
    %dma_start3A_50 = arith.constant 0 : i32
    %dma_start3A_51 = arith.constant 0 : i32
    %dma_start3A_52 = arith.constant 0 : i32
    %dma_start3A_53 = tpu.memref_slice %arg6[%dma_start3A_50, %dma_start3A_51, %dma_start3A_52] : memref<2x640x64xf32, #tpu.memory_space<vmem>> -> memref<1x640x64xf32, #tpu.memory_space<vmem>>
    %dma_start3A_54 = tpu.memref_squeeze %dma_start3A_53 : memref<1x640x64xf32, #tpu.memory_space<vmem>> -> memref<640x64xf32, #tpu.memory_space<vmem>>
    %dma_start3A_55 = arith.constant 384 : i32
    %dma_start3A_56 = arith.constant 0 : i32
    %dma_start3A_57 = tpu.memref_slice %dma_start3A_54[%dma_start3A_55, %dma_start3A_56] : memref<640x64xf32, #tpu.memory_space<vmem>> -> memref<128x64xf32, #tpu.memory_space<vmem>>
    %dma_start3A_58 = arith.constant 0 : i32
    %dma_start3A_59 = tpu.memref_slice %arg5[%dma_start3A_49, %dma_start3A_58] : memref<200x128xi32, #tpu.memory_space<vmem>> -> memref<1x128xi32, #tpu.memory_space<vmem>>
    %dma_start3A_60 = tpu.memref_squeeze %dma_start3A_59 : memref<1x128xi32, #tpu.memory_space<vmem>> -> memref<128xi32, #tpu.memory_space<vmem>>
    %dma_start3A_61 = arith.constant 0 : i32
    %dma_start3A_62 = arith.constant 0 : i32
    %dma_start3A_63 = tpu.memref_slice %arg2[%dma_start3A_61, %dma_start3A_62] : memref<1000000x64xf32, #tpu.memory_space<hbm>> -> memref<1000000x64xf32, #tpu.memory_space<hbm>>
    tpu.enqueue_indirect_dma source(%dma_start3A_63 : memref<1000000x64xf32, #tpu.memory_space<hbm>>) target(%dma_start3A_57 : memref<128x64xf32, #tpu.memory_space<vmem>>) offsets(%dma_start3A_60 : memref<128xi32, #tpu.memory_space<vmem>>) semaphore(%arg7 : memref<!tpu.dma_semaphore, #tpu.memory_space<semaphore_mem>>)
    %dma_start3A_64 = arith.constant 4 : i32
    %dma_start3A_65 = arith.constant 0 : i32
    %dma_start3A_66 = arith.constant 0 : i32
    %dma_start3A_67 = arith.constant 0 : i32
    %dma_start3A_68 = tpu.memref_slice %arg6[%dma_start3A_65, %dma_start3A_66, %dma_start3A_67] : memref<2x640x64xf32, #tpu.memory_space<vmem>> -> memref<1x640x64xf32, #tpu.memory_space<vmem>>
    %dma_start3A_69 = tpu.memref_squeeze %dma_start3A_68 : memref<1x640x64xf32, #tpu.memory_space<vmem>> -> memref<640x64xf32, #tpu.memory_space<vmem>>
    %dma_start3A_70 = arith.constant 512 : i32
    %dma_start3A_71 = arith.constant 0 : i32
    %dma_start3A_72 = tpu.memref_slice %dma_start3A_69[%dma_start3A_70, %dma_start3A_71] : memref<640x64xf32, #tpu.memory_space<vmem>> -> memref<128x64xf32, #tpu.memory_space<vmem>>
    %dma_start3A_73 = arith.constant 0 : i32
    %dma_start3A_74 = tpu.memref_slice %arg5[%dma_start3A_64, %dma_start3A_73] : memref<200x128xi32, #tpu.memory_space<vmem>> -> memref<1x128xi32, #tpu.memory_space<vmem>>
    %dma_start3A_75 = tpu.memref_squeeze %dma_start3A_74 : memref<1x128xi32, #tpu.memory_space<vmem>> -> memref<128xi32, #tpu.memory_space<vmem>>
    %dma_start3A_76 = arith.constant 0 : i32
    %dma_start3A_77 = arith.constant 0 : i32
    %dma_start3A_78 = tpu.memref_slice %arg2[%dma_start3A_76, %dma_start3A_77] : memref<1000000x64xf32, #tpu.memory_space<hbm>> -> memref<1000000x64xf32, #tpu.memory_space<hbm>>
    tpu.enqueue_indirect_dma source(%dma_start3A_78 : memref<1000000x64xf32, #tpu.memory_space<hbm>>) target(%dma_start3A_72 : memref<128x64xf32, #tpu.memory_space<vmem>>) offsets(%dma_start3A_75 : memref<128xi32, #tpu.memory_space<vmem>>) semaphore(%arg7 : memref<!tpu.dma_semaphore, #tpu.memory_space<semaphore_mem>>)
    %dma_start3A_79 = arith.constant 5 : i32
    %dma_start3A_80 = arith.constant 1 : i32
    %dma_start3A_81 = arith.constant 0 : i32
    %dma_start3A_82 = arith.constant 0 : i32
    %dma_start3A_83 = tpu.memref_slice %arg6[%dma_start3A_80, %dma_start3A_81, %dma_start3A_82] : memref<2x640x64xf32, #tpu.memory_space<vmem>> -> memref<1x640x64xf32, #tpu.memory_space<vmem>>
    %dma_start3A_84 = tpu.memref_squeeze %dma_start3A_83 : memref<1x640x64xf32, #tpu.memory_space<vmem>> -> memref<640x64xf32, #tpu.memory_space<vmem>>
    %dma_start3A_85 = arith.constant 0 : i32
    %dma_start3A_86 = arith.constant 0 : i32
    %dma_start3A_87 = tpu.memref_slice %dma_start3A_84[%dma_start3A_85, %dma_start3A_86] : memref<640x64xf32, #tpu.memory_space<vmem>> -> memref<128x64xf32, #tpu.memory_space<vmem>>
    %dma_start3A_88 = arith.constant 0 : i32
    %dma_start3A_89 = tpu.memref_slice %arg5[%dma_start3A_79, %dma_start3A_88] : memref<200x128xi32, #tpu.memory_space<vmem>> -> memref<1x128xi32, #tpu.memory_space<vmem>>
    %dma_start3A_90 = tpu.memref_squeeze %dma_start3A_89 : memref<1x128xi32, #tpu.memory_space<vmem>> -> memref<128xi32, #tpu.memory_space<vmem>>
    %dma_start3A_91 = arith.constant 0 : i32
    %dma_start3A_92 = arith.constant 0 : i32
    %dma_start3A_93 = tpu.memref_slice %arg2[%dma_start3A_91, %dma_start3A_92] : memref<1000000x64xf32, #tpu.memory_space<hbm>> -> memref<1000000x64xf32, #tpu.memory_space<hbm>>
    tpu.enqueue_indirect_dma source(%dma_start3A_93 : memref<1000000x64xf32, #tpu.memory_space<hbm>>) target(%dma_start3A_87 : memref<128x64xf32, #tpu.memory_space<vmem>>) offsets(%dma_start3A_90 : memref<128xi32, #tpu.memory_space<vmem>>) semaphore(%arg8 : memref<!tpu.dma_semaphore, #tpu.memory_space<semaphore_mem>>)
    %dma_start3A_94 = arith.constant 6 : i32
    %dma_start3A_95 = arith.constant 1 : i32
    %dma_start3A_96 = arith.constant 0 : i32
    %dma_start3A_97 = arith.constant 0 : i32
    %dma_start3A_98 = tpu.memref_slice %arg6[%dma_start3A_95, %dma_start3A_96, %dma_start3A_97] : memref<2x640x64xf32, #tpu.memory_space<vmem>> -> memref<1x640x64xf32, #tpu.memory_space<vmem>>
    %dma_start3A_99 = tpu.memref_squeeze %dma_start3A_98 : memref<1x640x64xf32, #tpu.memory_space<vmem>> -> memref<640x64xf32, #tpu.memory_space<vmem>>
    %dma_start3A_100 = arith.constant 128 : i32
    %dma_start3A_101 = arith.constant 0 : i32
    %dma_start3A_102 = tpu.memref_slice %dma_start3A_99[%dma_start3A_100, %dma_start3A_101] : memref<640x64xf32, #tpu.memory_space<vmem>> -> memref<128x64xf32, #tpu.memory_space<vmem>>
    %dma_start3A_103 = arith.constant 0 : i32
    %dma_start3A_104 = tpu.memref_slice %arg5[%dma_start3A_94, %dma_start3A_103] : memref<200x128xi32, #tpu.memory_space<vmem>> -> memref<1x128xi32, #tpu.memory_space<vmem>>
    %dma_start3A_105 = tpu.memref_squeeze %dma_start3A_104 : memref<1x128xi32, #tpu.memory_space<vmem>> -> memref<128xi32, #tpu.memory_space<vmem>>
    %dma_start3A_106 = arith.constant 0 : i32
    %dma_start3A_107 = arith.constant 0 : i32
    %dma_start3A_108 = tpu.memref_slice %arg2[%dma_start3A_106, %dma_start3A_107] : memref<1000000x64xf32, #tpu.memory_space<hbm>> -> memref<1000000x64xf32, #tpu.memory_space<hbm>>
    tpu.enqueue_indirect_dma source(%dma_start3A_108 : memref<1000000x64xf32, #tpu.memory_space<hbm>>) target(%dma_start3A_102 : memref<128x64xf32, #tpu.memory_space<vmem>>) offsets(%dma_start3A_105 : memref<128xi32, #tpu.memory_space<vmem>>) semaphore(%arg8 : memref<!tpu.dma_semaphore, #tpu.memory_space<semaphore_mem>>)
    %dma_start3A_109 = arith.constant 7 : i32
    %dma_start3A_110 = arith.constant 1 : i32
    %dma_start3A_111 = arith.constant 0 : i32
    %dma_start3A_112 = arith.constant 0 : i32
    %dma_start3A_113 = tpu.memref_slice %arg6[%dma_start3A_110, %dma_start3A_111, %dma_start3A_112] : memref<2x640x64xf32, #tpu.memory_space<vmem>> -> memref<1x640x64xf32, #tpu.memory_space<vmem>>
    %dma_start3A_114 = tpu.memref_squeeze %dma_start3A_113 : memref<1x640x64xf32, #tpu.memory_space<vmem>> -> memref<640x64xf32, #tpu.memory_space<vmem>>
    %dma_start3A_115 = arith.constant 256 : i32
    %dma_start3A_116 = arith.constant 0 : i32
    %dma_start3A_117 = tpu.memref_slice %dma_start3A_114[%dma_start3A_115, %dma_start3A_116] : memref<640x64xf32, #tpu.memory_space<vmem>> -> memref<128x64xf32, #tpu.memory_space<vmem>>
    %dma_start3A_118 = arith.constant 0 : i32
    %dma_start3A_119 = tpu.memref_slice %arg5[%dma_start3A_109, %dma_start3A_118] : memref<200x128xi32, #tpu.memory_space<vmem>> -> memref<1x128xi32, #tpu.memory_space<vmem>>
    %dma_start3A_120 = tpu.memref_squeeze %dma_start3A_119 : memref<1x128xi32, #tpu.memory_space<vmem>> -> memref<128xi32, #tpu.memory_space<vmem>>
    %dma_start3A_121 = arith.constant 0 : i32
    %dma_start3A_122 = arith.constant 0 : i32
    %dma_start3A_123 = tpu.memref_slice %arg2[%dma_start3A_121, %dma_start3A_122] : memref<1000000x64xf32, #tpu.memory_space<hbm>> -> memref<1000000x64xf32, #tpu.memory_space<hbm>>
    tpu.enqueue_indirect_dma source(%dma_start3A_123 : memref<1000000x64xf32, #tpu.memory_space<hbm>>) target(%dma_start3A_117 : memref<128x64xf32, #tpu.memory_space<vmem>>) offsets(%dma_start3A_120 : memref<128xi32, #tpu.memory_space<vmem>>) semaphore(%arg8 : memref<!tpu.dma_semaphore, #tpu.memory_space<semaphore_mem>>)
    %dma_start3A_124 = arith.constant 8 : i32
    %dma_start3A_125 = arith.constant 1 : i32
    %dma_start3A_126 = arith.constant 0 : i32
    %dma_start3A_127 = arith.constant 0 : i32
    %dma_start3A_128 = tpu.memref_slice %arg6[%dma_start3A_125, %dma_start3A_126, %dma_start3A_127] : memref<2x640x64xf32, #tpu.memory_space<vmem>> -> memref<1x640x64xf32, #tpu.memory_space<vmem>>
    %dma_start3A_129 = tpu.memref_squeeze %dma_start3A_128 : memref<1x640x64xf32, #tpu.memory_space<vmem>> -> memref<640x64xf32, #tpu.memory_space<vmem>>
    %dma_start3A_130 = arith.constant 384 : i32
    %dma_start3A_131 = arith.constant 0 : i32
    %dma_start3A_132 = tpu.memref_slice %dma_start3A_129[%dma_start3A_130, %dma_start3A_131] : memref<640x64xf32, #tpu.memory_space<vmem>> -> memref<128x64xf32, #tpu.memory_space<vmem>>
    %dma_start3A_133 = arith.constant 0 : i32
    %dma_start3A_134 = tpu.memref_slice %arg5[%dma_start3A_124, %dma_start3A_133] : memref<200x128xi32, #tpu.memory_space<vmem>> -> memref<1x128xi32, #tpu.memory_space<vmem>>
    %dma_start3A_135 = tpu.memref_squeeze %dma_start3A_134 : memref<1x128xi32, #tpu.memory_space<vmem>> -> memref<128xi32, #tpu.memory_space<vmem>>
    %dma_start3A_136 = arith.constant 0 : i32
    %dma_start3A_137 = arith.constant 0 : i32
    %dma_start3A_138 = tpu.memref_slice %arg2[%dma_start3A_136, %dma_start3A_137] : memref<1000000x64xf32, #tpu.memory_space<hbm>> -> memref<1000000x64xf32, #tpu.memory_space<hbm>>
    tpu.enqueue_indirect_dma source(%dma_start3A_138 : memref<1000000x64xf32, #tpu.memory_space<hbm>>) target(%dma_start3A_132 : memref<128x64xf32, #tpu.memory_space<vmem>>) offsets(%dma_start3A_135 : memref<128xi32, #tpu.memory_space<vmem>>) semaphore(%arg8 : memref<!tpu.dma_semaphore, #tpu.memory_space<semaphore_mem>>)
    %dma_start3A_139 = arith.constant 9 : i32
    %dma_start3A_140 = arith.constant 1 : i32
    %dma_start3A_141 = arith.constant 0 : i32
    %dma_start3A_142 = arith.constant 0 : i32
    %dma_start3A_143 = tpu.memref_slice %arg6[%dma_start3A_140, %dma_start3A_141, %dma_start3A_142] : memref<2x640x64xf32, #tpu.memory_space<vmem>> -> memref<1x640x64xf32, #tpu.memory_space<vmem>>
    %dma_start3A_144 = tpu.memref_squeeze %dma_start3A_143 : memref<1x640x64xf32, #tpu.memory_space<vmem>> -> memref<640x64xf32, #tpu.memory_space<vmem>>
    %dma_start3A_145 = arith.constant 512 : i32
    %dma_start3A_146 = arith.constant 0 : i32
    %dma_start3A_147 = tpu.memref_slice %dma_start3A_144[%dma_start3A_145, %dma_start3A_146] : memref<640x64xf32, #tpu.memory_space<vmem>> -> memref<128x64xf32, #tpu.memory_space<vmem>>
    %dma_start3A_148 = arith.constant 0 : i32
    %dma_start3A_149 = tpu.memref_slice %arg5[%dma_start3A_139, %dma_start3A_148] : memref<200x128xi32, #tpu.memory_space<vmem>> -> memref<1x128xi32, #tpu.memory_space<vmem>>
    %dma_start3A_150 = tpu.memref_squeeze %dma_start3A_149 : memref<1x128xi32, #tpu.memory_space<vmem>> -> memref<128xi32, #tpu.memory_space<vmem>>
    %dma_start3A_151 = arith.constant 0 : i32
    %dma_start3A_152 = arith.constant 0 : i32
    %dma_start3A_153 = tpu.memref_slice %arg2[%dma_start3A_151, %dma_start3A_152] : memref<1000000x64xf32, #tpu.memory_space<hbm>> -> memref<1000000x64xf32, #tpu.memory_space<hbm>>
    tpu.enqueue_indirect_dma source(%dma_start3A_153 : memref<1000000x64xf32, #tpu.memory_space<hbm>>) target(%dma_start3A_147 : memref<128x64xf32, #tpu.memory_space<vmem>>) offsets(%dma_start3A_150 : memref<128xi32, #tpu.memory_space<vmem>>) semaphore(%arg8 : memref<!tpu.dma_semaphore, #tpu.memory_space<semaphore_mem>>)
    %scan3A = arith.constant 0 : i32
    %scan3A_154 = arith.constant 0 : i32
    %scan3A_155 = arith.constant 19 : i32
    %scan3A_156 = arith.addi %scan3A_154, %scan3A_155 : i32
    %scan3A_157 = arith.constant 1 : i32
    scf.for %scan3A_368 = %scan3A_154 to %scan3A_156 step %scan3A_157  : i32 {
      %mul3A_369 = arith.constant 2 : i32
      %mul3A_370 = arith.muli %mul3A_369, %scan3A_368 : i32
      %add3A_371 = arith.constant 0 : i32
      %add3A_372 = arith.addi %mul3A_370, %add3A_371 : i32
      %dma_wait3A_373 = arith.constant 0 : i32
      %dma_wait3A_374 = arith.constant 0 : i32
      %dma_wait3A_375 = arith.constant 0 : i32
      %dma_wait3A_376 = arith.constant 0 : i32
      %dma_wait3A_377 = tpu.memref_slice %arg6[%dma_wait3A_374, %dma_wait3A_375, %dma_wait3A_376] : memref<2x640x64xf32, #tpu.memory_space<vmem>> -> memref<1x640x64xf32, #tpu.memory_space<vmem>>
      %dma_wait3A_378 = tpu.memref_squeeze %dma_wait3A_377 : memref<1x640x64xf32, #tpu.memory_space<vmem>> -> memref<640x64xf32, #tpu.memory_space<vmem>>
      %dma_wait3A_379 = arith.constant 0 : i32
      %dma_wait3A_380 = arith.constant 0 : i32
      %dma_wait3A_381 = tpu.memref_slice %dma_wait3A_378[%dma_wait3A_379, %dma_wait3A_380] : memref<640x64xf32, #tpu.memory_space<vmem>> -> memref<128x64xf32, #tpu.memory_space<vmem>>
      %dma_wait3A_382 = arith.constant 0 : i32
      %dma_wait3A_383 = tpu.memref_slice %arg5[%dma_wait3A_373, %dma_wait3A_382] : memref<200x128xi32, #tpu.memory_space<vmem>> -> memref<1x128xi32, #tpu.memory_space<vmem>>
      %dma_wait3A_384 = tpu.memref_squeeze %dma_wait3A_383 : memref<1x128xi32, #tpu.memory_space<vmem>> -> memref<128xi32, #tpu.memory_space<vmem>>
      %dma_wait3A_385 = arith.constant 0 : i32
      %dma_wait3A_386 = arith.constant 0 : i32
      %dma_wait3A_387 = tpu.memref_slice %arg2[%dma_wait3A_385, %dma_wait3A_386] : memref<1000000x64xf32, #tpu.memory_space<hbm>> -> memref<1000000x64xf32, #tpu.memory_space<hbm>>
      tpu.wait_indirect_dma semaphore(%arg7 : memref<!tpu.dma_semaphore, #tpu.memory_space<semaphore_mem>>) src(%dma_wait3A_387 : memref<1000000x64xf32, #tpu.memory_space<hbm>>) dst(%dma_wait3A_381 : memref<128x64xf32, #tpu.memory_space<vmem>>)
      %dma_wait3A_388 = arith.constant 1 : i32
      %dma_wait3A_389 = arith.constant 0 : i32
      %dma_wait3A_390 = arith.constant 0 : i32
      %dma_wait3A_391 = arith.constant 0 : i32
      %dma_wait3A_392 = tpu.memref_slice %arg6[%dma_wait3A_389, %dma_wait3A_390, %dma_wait3A_391] : memref<2x640x64xf32, #tpu.memory_space<vmem>> -> memref<1x640x64xf32, #tpu.memory_space<vmem>>
      %dma_wait3A_393 = tpu.memref_squeeze %dma_wait3A_392 : memref<1x640x64xf32, #tpu.memory_space<vmem>> -> memref<640x64xf32, #tpu.memory_space<vmem>>
      %dma_wait3A_394 = arith.constant 128 : i32
      %dma_wait3A_395 = arith.constant 0 : i32
      %dma_wait3A_396 = tpu.memref_slice %dma_wait3A_393[%dma_wait3A_394, %dma_wait3A_395] : memref<640x64xf32, #tpu.memory_space<vmem>> -> memref<128x64xf32, #tpu.memory_space<vmem>>
      %dma_wait3A_397 = arith.constant 0 : i32
      %dma_wait3A_398 = tpu.memref_slice %arg5[%dma_wait3A_388, %dma_wait3A_397] : memref<200x128xi32, #tpu.memory_space<vmem>> -> memref<1x128xi32, #tpu.memory_space<vmem>>
      %dma_wait3A_399 = tpu.memref_squeeze %dma_wait3A_398 : memref<1x128xi32, #tpu.memory_space<vmem>> -> memref<128xi32, #tpu.memory_space<vmem>>
      %dma_wait3A_400 = arith.constant 0 : i32
      %dma_wait3A_401 = arith.constant 0 : i32
      %dma_wait3A_402 = tpu.memref_slice %arg2[%dma_wait3A_400, %dma_wait3A_401] : memref<1000000x64xf32, #tpu.memory_space<hbm>> -> memref<1000000x64xf32, #tpu.memory_space<hbm>>
      tpu.wait_indirect_dma semaphore(%arg7 : memref<!tpu.dma_semaphore, #tpu.memory_space<semaphore_mem>>) src(%dma_wait3A_402 : memref<1000000x64xf32, #tpu.memory_space<hbm>>) dst(%dma_wait3A_396 : memref<128x64xf32, #tpu.memory_space<vmem>>)
      %dma_wait3A_403 = arith.constant 2 : i32
      %dma_wait3A_404 = arith.constant 0 : i32
      %dma_wait3A_405 = arith.constant 0 : i32
      %dma_wait3A_406 = arith.constant 0 : i32
      %dma_wait3A_407 = tpu.memref_slice %arg6[%dma_wait3A_404, %dma_wait3A_405, %dma_wait3A_406] : memref<2x640x64xf32, #tpu.memory_space<vmem>> -> memref<1x640x64xf32, #tpu.memory_space<vmem>>
      %dma_wait3A_408 = tpu.memref_squeeze %dma_wait3A_407 : memref<1x640x64xf32, #tpu.memory_space<vmem>> -> memref<640x64xf32, #tpu.memory_space<vmem>>
      %dma_wait3A_409 = arith.constant 256 : i32
      %dma_wait3A_410 = arith.constant 0 : i32
      %dma_wait3A_411 = tpu.memref_slice %dma_wait3A_408[%dma_wait3A_409, %dma_wait3A_410] : memref<640x64xf32, #tpu.memory_space<vmem>> -> memref<128x64xf32, #tpu.memory_space<vmem>>
      %dma_wait3A_412 = arith.constant 0 : i32
      %dma_wait3A_413 = tpu.memref_slice %arg5[%dma_wait3A_403, %dma_wait3A_412] : memref<200x128xi32, #tpu.memory_space<vmem>> -> memref<1x128xi32, #tpu.memory_space<vmem>>
      %dma_wait3A_414 = tpu.memref_squeeze %dma_wait3A_413 : memref<1x128xi32, #tpu.memory_space<vmem>> -> memref<128xi32, #tpu.memory_space<vmem>>
      %dma_wait3A_415 = arith.constant 0 : i32
      %dma_wait3A_416 = arith.constant 0 : i32
      %dma_wait3A_417 = tpu.memref_slice %arg2[%dma_wait3A_415, %dma_wait3A_416] : memref<1000000x64xf32, #tpu.memory_space<hbm>> -> memref<1000000x64xf32, #tpu.memory_space<hbm>>
      tpu.wait_indirect_dma semaphore(%arg7 : memref<!tpu.dma_semaphore, #tpu.memory_space<semaphore_mem>>) src(%dma_wait3A_417 : memref<1000000x64xf32, #tpu.memory_space<hbm>>) dst(%dma_wait3A_411 : memref<128x64xf32, #tpu.memory_space<vmem>>)
      %dma_wait3A_418 = arith.constant 3 : i32
      %dma_wait3A_419 = arith.constant 0 : i32
      %dma_wait3A_420 = arith.constant 0 : i32
      %dma_wait3A_421 = arith.constant 0 : i32
      %dma_wait3A_422 = tpu.memref_slice %arg6[%dma_wait3A_419, %dma_wait3A_420, %dma_wait3A_421] : memref<2x640x64xf32, #tpu.memory_space<vmem>> -> memref<1x640x64xf32, #tpu.memory_space<vmem>>
      %dma_wait3A_423 = tpu.memref_squeeze %dma_wait3A_422 : memref<1x640x64xf32, #tpu.memory_space<vmem>> -> memref<640x64xf32, #tpu.memory_space<vmem>>
      %dma_wait3A_424 = arith.constant 384 : i32
      %dma_wait3A_425 = arith.constant 0 : i32
      %dma_wait3A_426 = tpu.memref_slice %dma_wait3A_423[%dma_wait3A_424, %dma_wait3A_425] : memref<640x64xf32, #tpu.memory_space<vmem>> -> memref<128x64xf32, #tpu.memory_space<vmem>>
      %dma_wait3A_427 = arith.constant 0 : i32
      %dma_wait3A_428 = tpu.memref_slice %arg5[%dma_wait3A_418, %dma_wait3A_427] : memref<200x128xi32, #tpu.memory_space<vmem>> -> memref<1x128xi32, #tpu.memory_space<vmem>>
      %dma_wait3A_429 = tpu.memref_squeeze %dma_wait3A_428 : memref<1x128xi32, #tpu.memory_space<vmem>> -> memref<128xi32, #tpu.memory_space<vmem>>
      %dma_wait3A_430 = arith.constant 0 : i32
      %dma_wait3A_431 = arith.constant 0 : i32
      %dma_wait3A_432 = tpu.memref_slice %arg2[%dma_wait3A_430, %dma_wait3A_431] : memref<1000000x64xf32, #tpu.memory_space<hbm>> -> memref<1000000x64xf32, #tpu.memory_space<hbm>>
      tpu.wait_indirect_dma semaphore(%arg7 : memref<!tpu.dma_semaphore, #tpu.memory_space<semaphore_mem>>) src(%dma_wait3A_432 : memref<1000000x64xf32, #tpu.memory_space<hbm>>) dst(%dma_wait3A_426 : memref<128x64xf32, #tpu.memory_space<vmem>>)
      %dma_wait3A_433 = arith.constant 4 : i32
      %dma_wait3A_434 = arith.constant 0 : i32
      %dma_wait3A_435 = arith.constant 0 : i32
      %dma_wait3A_436 = arith.constant 0 : i32
      %dma_wait3A_437 = tpu.memref_slice %arg6[%dma_wait3A_434, %dma_wait3A_435, %dma_wait3A_436] : memref<2x640x64xf32, #tpu.memory_space<vmem>> -> memref<1x640x64xf32, #tpu.memory_space<vmem>>
      %dma_wait3A_438 = tpu.memref_squeeze %dma_wait3A_437 : memref<1x640x64xf32, #tpu.memory_space<vmem>> -> memref<640x64xf32, #tpu.memory_space<vmem>>
      %dma_wait3A_439 = arith.constant 512 : i32
      %dma_wait3A_440 = arith.constant 0 : i32
      %dma_wait3A_441 = tpu.memref_slice %dma_wait3A_438[%dma_wait3A_439, %dma_wait3A_440] : memref<640x64xf32, #tpu.memory_space<vmem>> -> memref<128x64xf32, #tpu.memory_space<vmem>>
      %dma_wait3A_442 = arith.constant 0 : i32
      %dma_wait3A_443 = tpu.memref_slice %arg5[%dma_wait3A_433, %dma_wait3A_442] : memref<200x128xi32, #tpu.memory_space<vmem>> -> memref<1x128xi32, #tpu.memory_space<vmem>>
      %dma_wait3A_444 = tpu.memref_squeeze %dma_wait3A_443 : memref<1x128xi32, #tpu.memory_space<vmem>> -> memref<128xi32, #tpu.memory_space<vmem>>
      %dma_wait3A_445 = arith.constant 0 : i32
      %dma_wait3A_446 = arith.constant 0 : i32
      %dma_wait3A_447 = tpu.memref_slice %arg2[%dma_wait3A_445, %dma_wait3A_446] : memref<1000000x64xf32, #tpu.memory_space<hbm>> -> memref<1000000x64xf32, #tpu.memory_space<hbm>>
      tpu.wait_indirect_dma semaphore(%arg7 : memref<!tpu.dma_semaphore, #tpu.memory_space<semaphore_mem>>) src(%dma_wait3A_447 : memref<1000000x64xf32, #tpu.memory_space<hbm>>) dst(%dma_wait3A_441 : memref<128x64xf32, #tpu.memory_space<vmem>>)
      %mul3A_448 = arith.constant 640 : i32
      %mul3A_449 = arith.muli %add3A_372, %mul3A_448 : i32
      %add3A_450 = arith.addi %mul3A_4, %mul3A_449 : i32
      %dma_start3A_451 = arith.constant 0 : i32
      %dma_start3A_452 = arith.constant 0 : i32
      %dma_start3A_453 = arith.constant 0 : i32
      %dma_start3A_454 = tpu.memref_slice %arg6[%dma_start3A_451, %dma_start3A_452, %dma_start3A_453] : memref<2x640x64xf32, #tpu.memory_space<vmem>> -> memref<1x640x64xf32, #tpu.memory_space<vmem>>
      %dma_start3A_455 = tpu.memref_squeeze %dma_start3A_454 : memref<1x640x64xf32, #tpu.memory_space<vmem>> -> memref<640x64xf32, #tpu.memory_space<vmem>>
      %dma_start3A_456 = arith.constant 0 : i32
      %dma_start3A_457 = tpu.memref_slice %arg4[%add3A_450, %dma_start3A_456] : memref<819200x64xf32, #tpu.memory_space<hbm>> -> memref<640x64xf32, #tpu.memory_space<hbm>>
      %dma_start3A_458 = arith.constant 0 : i32
      %dma_start3A_459 = tpu.memref_slice %arg4[%add3A_450, %dma_start3A_458] : memref<819200x64xf32, #tpu.memory_space<hbm>> -> memref<640x64xf32, #tpu.memory_space<hbm>>
      %dma_start3A_460 = arith.constant 0 : i32
      %dma_start3A_461 = arith.constant 0 : i32
      %dma_start3A_462 = tpu.memref_slice %arg6[%dma_start3A_451, %dma_start3A_460, %dma_start3A_461] : memref<2x640x64xf32, #tpu.memory_space<vmem>> -> memref<1x640x64xf32, #tpu.memory_space<vmem>>
      %dma_start3A_463 = tpu.memref_squeeze %dma_start3A_462 : memref<1x640x64xf32, #tpu.memory_space<vmem>> -> memref<640x64xf32, #tpu.memory_space<vmem>>
      tpu.enqueue_dma source(%dma_start3A_463 : memref<640x64xf32, #tpu.memory_space<vmem>>) target(%dma_start3A_459 : memref<640x64xf32, #tpu.memory_space<hbm>>) target_semaphore(%arg9 : memref<!tpu.dma_semaphore, #tpu.memory_space<semaphore_mem>>)
      %mul3A_464 = arith.constant 640 : i32
      %mul3A_465 = arith.muli %add3A_372, %mul3A_464 : i32
      %add3A_466 = arith.addi %mul3A_4, %mul3A_465 : i32
      %dma_wait3A_467 = arith.constant 0 : i32
      %dma_wait3A_468 = arith.constant 0 : i32
      %dma_wait3A_469 = arith.constant 0 : i32
      %dma_wait3A_470 = tpu.memref_slice %arg6[%dma_wait3A_467, %dma_wait3A_468, %dma_wait3A_469] : memref<2x640x64xf32, #tpu.memory_space<vmem>> -> memref<1x640x64xf32, #tpu.memory_space<vmem>>
      %dma_wait3A_471 = tpu.memref_squeeze %dma_wait3A_470 : memref<1x640x64xf32, #tpu.memory_space<vmem>> -> memref<640x64xf32, #tpu.memory_space<vmem>>
      %dma_wait3A_472 = arith.constant 0 : i32
      %dma_wait3A_473 = tpu.memref_slice %arg4[%add3A_466, %dma_wait3A_472] : memref<819200x64xf32, #tpu.memory_space<hbm>> -> memref<640x64xf32, #tpu.memory_space<hbm>>
      %dma_wait3A_474 = arith.constant 0 : i32
      %dma_wait3A_475 = tpu.memref_slice %arg4[%add3A_466, %dma_wait3A_474] : memref<819200x64xf32, #tpu.memory_space<hbm>> -> memref<640x64xf32, #tpu.memory_space<hbm>>
      %dma_wait3A_476 = arith.constant 0 : i32
      %dma_wait3A_477 = arith.constant 0 : i32
      %dma_wait3A_478 = tpu.memref_slice %arg6[%dma_wait3A_467, %dma_wait3A_476, %dma_wait3A_477] : memref<2x640x64xf32, #tpu.memory_space<vmem>> -> memref<1x640x64xf32, #tpu.memory_space<vmem>>
      %dma_wait3A_479 = tpu.memref_squeeze %dma_wait3A_478 : memref<1x640x64xf32, #tpu.memory_space<vmem>> -> memref<640x64xf32, #tpu.memory_space<vmem>>
      tpu.wait_dma2 semaphore(%arg9 : memref<!tpu.dma_semaphore, #tpu.memory_space<semaphore_mem>>) src(%dma_wait3A_479 : memref<640x64xf32, #tpu.memory_space<vmem>>) dst(%dma_wait3A_475 : memref<640x64xf32, #tpu.memory_space<hbm>>)
      %add3A_480 = arith.constant 2 : i32
      %add3A_481 = arith.addi %add3A_372, %add3A_480 : i32
      %mul3A_482 = arith.constant 5 : i32
      %mul3A_483 = arith.muli %add3A_481, %mul3A_482 : i32
      %add3A_484 = arith.constant 0 : i32
      %add3A_485 = arith.addi %mul3A_483, %add3A_484 : i32
      %dma_start3A_486 = arith.constant 0 : i32
      %dma_start3A_487 = arith.constant 0 : i32
      %dma_start3A_488 = arith.constant 0 : i32
      %dma_start3A_489 = tpu.memref_slice %arg6[%dma_start3A_486, %dma_start3A_487, %dma_start3A_488] : memref<2x640x64xf32, #tpu.memory_space<vmem>> -> memref<1x640x64xf32, #tpu.memory_space<vmem>>
      %dma_start3A_490 = tpu.memref_squeeze %dma_start3A_489 : memref<1x640x64xf32, #tpu.memory_space<vmem>> -> memref<640x64xf32, #tpu.memory_space<vmem>>
      %dma_start3A_491 = arith.constant 0 : i32
      %dma_start3A_492 = arith.constant 0 : i32
      %dma_start3A_493 = tpu.memref_slice %dma_start3A_490[%dma_start3A_491, %dma_start3A_492] : memref<640x64xf32, #tpu.memory_space<vmem>> -> memref<128x64xf32, #tpu.memory_space<vmem>>
      %dma_start3A_494 = arith.constant 0 : i32
      %dma_start3A_495 = tpu.memref_slice %arg5[%add3A_485, %dma_start3A_494] : memref<200x128xi32, #tpu.memory_space<vmem>> -> memref<1x128xi32, #tpu.memory_space<vmem>>
      %dma_start3A_496 = tpu.memref_squeeze %dma_start3A_495 : memref<1x128xi32, #tpu.memory_space<vmem>> -> memref<128xi32, #tpu.memory_space<vmem>>
      %dma_start3A_497 = arith.constant 0 : i32
      %dma_start3A_498 = arith.constant 0 : i32
      %dma_start3A_499 = tpu.memref_slice %arg2[%dma_start3A_497, %dma_start3A_498] : memref<1000000x64xf32, #tpu.memory_space<hbm>> -> memref<1000000x64xf32, #tpu.memory_space<hbm>>
      tpu.enqueue_indirect_dma source(%dma_start3A_499 : memref<1000000x64xf32, #tpu.memory_space<hbm>>) target(%dma_start3A_493 : memref<128x64xf32, #tpu.memory_space<vmem>>) offsets(%dma_start3A_496 : memref<128xi32, #tpu.memory_space<vmem>>) semaphore(%arg7 : memref<!tpu.dma_semaphore, #tpu.memory_space<semaphore_mem>>)
      %mul3A_500 = arith.constant 5 : i32
      %mul3A_501 = arith.muli %add3A_481, %mul3A_500 : i32
      %add3A_502 = arith.constant 1 : i32
      %add3A_503 = arith.addi %mul3A_501, %add3A_502 : i32
      %dma_start3A_504 = arith.constant 0 : i32
      %dma_start3A_505 = arith.constant 0 : i32
      %dma_start3A_506 = arith.constant 0 : i32
      %dma_start3A_507 = tpu.memref_slice %arg6[%dma_start3A_504, %dma_start3A_505, %dma_start3A_506] : memref<2x640x64xf32, #tpu.memory_space<vmem>> -> memref<1x640x64xf32, #tpu.memory_space<vmem>>
      %dma_start3A_508 = tpu.memref_squeeze %dma_start3A_507 : memref<1x640x64xf32, #tpu.memory_space<vmem>> -> memref<640x64xf32, #tpu.memory_space<vmem>>
      %dma_start3A_509 = arith.constant 128 : i32
      %dma_start3A_510 = arith.constant 0 : i32
      %dma_start3A_511 = tpu.memref_slice %dma_start3A_508[%dma_start3A_509, %dma_start3A_510] : memref<640x64xf32, #tpu.memory_space<vmem>> -> memref<128x64xf32, #tpu.memory_space<vmem>>
      %dma_start3A_512 = arith.constant 0 : i32
      %dma_start3A_513 = tpu.memref_slice %arg5[%add3A_503, %dma_start3A_512] : memref<200x128xi32, #tpu.memory_space<vmem>> -> memref<1x128xi32, #tpu.memory_space<vmem>>
      %dma_start3A_514 = tpu.memref_squeeze %dma_start3A_513 : memref<1x128xi32, #tpu.memory_space<vmem>> -> memref<128xi32, #tpu.memory_space<vmem>>
      %dma_start3A_515 = arith.constant 0 : i32
      %dma_start3A_516 = arith.constant 0 : i32
      %dma_start3A_517 = tpu.memref_slice %arg2[%dma_start3A_515, %dma_start3A_516] : memref<1000000x64xf32, #tpu.memory_space<hbm>> -> memref<1000000x64xf32, #tpu.memory_space<hbm>>
      tpu.enqueue_indirect_dma source(%dma_start3A_517 : memref<1000000x64xf32, #tpu.memory_space<hbm>>) target(%dma_start3A_511 : memref<128x64xf32, #tpu.memory_space<vmem>>) offsets(%dma_start3A_514 : memref<128xi32, #tpu.memory_space<vmem>>) semaphore(%arg7 : memref<!tpu.dma_semaphore, #tpu.memory_space<semaphore_mem>>)
      %mul3A_518 = arith.constant 5 : i32
      %mul3A_519 = arith.muli %add3A_481, %mul3A_518 : i32
      %add3A_520 = arith.constant 2 : i32
      %add3A_521 = arith.addi %mul3A_519, %add3A_520 : i32
      %dma_start3A_522 = arith.constant 0 : i32
      %dma_start3A_523 = arith.constant 0 : i32
      %dma_start3A_524 = arith.constant 0 : i32
      %dma_start3A_525 = tpu.memref_slice %arg6[%dma_start3A_522, %dma_start3A_523, %dma_start3A_524] : memref<2x640x64xf32, #tpu.memory_space<vmem>> -> memref<1x640x64xf32, #tpu.memory_space<vmem>>
      %dma_start3A_526 = tpu.memref_squeeze %dma_start3A_525 : memref<1x640x64xf32, #tpu.memory_space<vmem>> -> memref<640x64xf32, #tpu.memory_space<vmem>>
      %dma_start3A_527 = arith.constant 256 : i32
      %dma_start3A_528 = arith.constant 0 : i32
      %dma_start3A_529 = tpu.memref_slice %dma_start3A_526[%dma_start3A_527, %dma_start3A_528] : memref<640x64xf32, #tpu.memory_space<vmem>> -> memref<128x64xf32, #tpu.memory_space<vmem>>
      %dma_start3A_530 = arith.constant 0 : i32
      %dma_start3A_531 = tpu.memref_slice %arg5[%add3A_521, %dma_start3A_530] : memref<200x128xi32, #tpu.memory_space<vmem>> -> memref<1x128xi32, #tpu.memory_space<vmem>>
      %dma_start3A_532 = tpu.memref_squeeze %dma_start3A_531 : memref<1x128xi32, #tpu.memory_space<vmem>> -> memref<128xi32, #tpu.memory_space<vmem>>
      %dma_start3A_533 = arith.constant 0 : i32
      %dma_start3A_534 = arith.constant 0 : i32
      %dma_start3A_535 = tpu.memref_slice %arg2[%dma_start3A_533, %dma_start3A_534] : memref<1000000x64xf32, #tpu.memory_space<hbm>> -> memref<1000000x64xf32, #tpu.memory_space<hbm>>
      tpu.enqueue_indirect_dma source(%dma_start3A_535 : memref<1000000x64xf32, #tpu.memory_space<hbm>>) target(%dma_start3A_529 : memref<128x64xf32, #tpu.memory_space<vmem>>) offsets(%dma_start3A_532 : memref<128xi32, #tpu.memory_space<vmem>>) semaphore(%arg7 : memref<!tpu.dma_semaphore, #tpu.memory_space<semaphore_mem>>)
      %mul3A_536 = arith.constant 5 : i32
      %mul3A_537 = arith.muli %add3A_481, %mul3A_536 : i32
      %add3A_538 = arith.constant 3 : i32
      %add3A_539 = arith.addi %mul3A_537, %add3A_538 : i32
      %dma_start3A_540 = arith.constant 0 : i32
      %dma_start3A_541 = arith.constant 0 : i32
      %dma_start3A_542 = arith.constant 0 : i32
      %dma_start3A_543 = tpu.memref_slice %arg6[%dma_start3A_540, %dma_start3A_541, %dma_start3A_542] : memref<2x640x64xf32, #tpu.memory_space<vmem>> -> memref<1x640x64xf32, #tpu.memory_space<vmem>>
      %dma_start3A_544 = tpu.memref_squeeze %dma_start3A_543 : memref<1x640x64xf32, #tpu.memory_space<vmem>> -> memref<640x64xf32, #tpu.memory_space<vmem>>
      %dma_start3A_545 = arith.constant 384 : i32
      %dma_start3A_546 = arith.constant 0 : i32
      %dma_start3A_547 = tpu.memref_slice %dma_start3A_544[%dma_start3A_545, %dma_start3A_546] : memref<640x64xf32, #tpu.memory_space<vmem>> -> memref<128x64xf32, #tpu.memory_space<vmem>>
      %dma_start3A_548 = arith.constant 0 : i32
      %dma_start3A_549 = tpu.memref_slice %arg5[%add3A_539, %dma_start3A_548] : memref<200x128xi32, #tpu.memory_space<vmem>> -> memref<1x128xi32, #tpu.memory_space<vmem>>
      %dma_start3A_550 = tpu.memref_squeeze %dma_start3A_549 : memref<1x128xi32, #tpu.memory_space<vmem>> -> memref<128xi32, #tpu.memory_space<vmem>>
      %dma_start3A_551 = arith.constant 0 : i32
      %dma_start3A_552 = arith.constant 0 : i32
      %dma_start3A_553 = tpu.memref_slice %arg2[%dma_start3A_551, %dma_start3A_552] : memref<1000000x64xf32, #tpu.memory_space<hbm>> -> memref<1000000x64xf32, #tpu.memory_space<hbm>>
      tpu.enqueue_indirect_dma source(%dma_start3A_553 : memref<1000000x64xf32, #tpu.memory_space<hbm>>) target(%dma_start3A_547 : memref<128x64xf32, #tpu.memory_space<vmem>>) offsets(%dma_start3A_550 : memref<128xi32, #tpu.memory_space<vmem>>) semaphore(%arg7 : memref<!tpu.dma_semaphore, #tpu.memory_space<semaphore_mem>>)
      %mul3A_554 = arith.constant 5 : i32
      %mul3A_555 = arith.muli %add3A_481, %mul3A_554 : i32
      %add3A_556 = arith.constant 4 : i32
      %add3A_557 = arith.addi %mul3A_555, %add3A_556 : i32
      %dma_start3A_558 = arith.constant 0 : i32
      %dma_start3A_559 = arith.constant 0 : i32
      %dma_start3A_560 = arith.constant 0 : i32
      %dma_start3A_561 = tpu.memref_slice %arg6[%dma_start3A_558, %dma_start3A_559, %dma_start3A_560] : memref<2x640x64xf32, #tpu.memory_space<vmem>> -> memref<1x640x64xf32, #tpu.memory_space<vmem>>
      %dma_start3A_562 = tpu.memref_squeeze %dma_start3A_561 : memref<1x640x64xf32, #tpu.memory_space<vmem>> -> memref<640x64xf32, #tpu.memory_space<vmem>>
      %dma_start3A_563 = arith.constant 512 : i32
      %dma_start3A_564 = arith.constant 0 : i32
      %dma_start3A_565 = tpu.memref_slice %dma_start3A_562[%dma_start3A_563, %dma_start3A_564] : memref<640x64xf32, #tpu.memory_space<vmem>> -> memref<128x64xf32, #tpu.memory_space<vmem>>
      %dma_start3A_566 = arith.constant 0 : i32
      %dma_start3A_567 = tpu.memref_slice %arg5[%add3A_557, %dma_start3A_566] : memref<200x128xi32, #tpu.memory_space<vmem>> -> memref<1x128xi32, #tpu.memory_space<vmem>>
      %dma_start3A_568 = tpu.memref_squeeze %dma_start3A_567 : memref<1x128xi32, #tpu.memory_space<vmem>> -> memref<128xi32, #tpu.memory_space<vmem>>
      %dma_start3A_569 = arith.constant 0 : i32
      %dma_start3A_570 = arith.constant 0 : i32
      %dma_start3A_571 = tpu.memref_slice %arg2[%dma_start3A_569, %dma_start3A_570] : memref<1000000x64xf32, #tpu.memory_space<hbm>> -> memref<1000000x64xf32, #tpu.memory_space<hbm>>
      tpu.enqueue_indirect_dma source(%dma_start3A_571 : memref<1000000x64xf32, #tpu.memory_space<hbm>>) target(%dma_start3A_565 : memref<128x64xf32, #tpu.memory_space<vmem>>) offsets(%dma_start3A_568 : memref<128xi32, #tpu.memory_space<vmem>>) semaphore(%arg7 : memref<!tpu.dma_semaphore, #tpu.memory_space<semaphore_mem>>)
      %mul3A_572 = arith.constant 2 : i32
      %mul3A_573 = arith.muli %mul3A_572, %scan3A_368 : i32
      %add3A_574 = arith.constant 1 : i32
      %add3A_575 = arith.addi %mul3A_573, %add3A_574 : i32
      %dma_wait3A_576 = arith.constant 0 : i32
      %dma_wait3A_577 = arith.constant 1 : i32
      %dma_wait3A_578 = arith.constant 0 : i32
      %dma_wait3A_579 = arith.constant 0 : i32
      %dma_wait3A_580 = tpu.memref_slice %arg6[%dma_wait3A_577, %dma_wait3A_578, %dma_wait3A_579] : memref<2x640x64xf32, #tpu.memory_space<vmem>> -> memref<1x640x64xf32, #tpu.memory_space<vmem>>
      %dma_wait3A_581 = tpu.memref_squeeze %dma_wait3A_580 : memref<1x640x64xf32, #tpu.memory_space<vmem>> -> memref<640x64xf32, #tpu.memory_space<vmem>>
      %dma_wait3A_582 = arith.constant 0 : i32
      %dma_wait3A_583 = arith.constant 0 : i32
      %dma_wait3A_584 = tpu.memref_slice %dma_wait3A_581[%dma_wait3A_582, %dma_wait3A_583] : memref<640x64xf32, #tpu.memory_space<vmem>> -> memref<128x64xf32, #tpu.memory_space<vmem>>
      %dma_wait3A_585 = arith.constant 0 : i32
      %dma_wait3A_586 = tpu.memref_slice %arg5[%dma_wait3A_576, %dma_wait3A_585] : memref<200x128xi32, #tpu.memory_space<vmem>> -> memref<1x128xi32, #tpu.memory_space<vmem>>
      %dma_wait3A_587 = tpu.memref_squeeze %dma_wait3A_586 : memref<1x128xi32, #tpu.memory_space<vmem>> -> memref<128xi32, #tpu.memory_space<vmem>>
      %dma_wait3A_588 = arith.constant 0 : i32
      %dma_wait3A_589 = arith.constant 0 : i32
      %dma_wait3A_590 = tpu.memref_slice %arg2[%dma_wait3A_588, %dma_wait3A_589] : memref<1000000x64xf32, #tpu.memory_space<hbm>> -> memref<1000000x64xf32, #tpu.memory_space<hbm>>
      tpu.wait_indirect_dma semaphore(%arg8 : memref<!tpu.dma_semaphore, #tpu.memory_space<semaphore_mem>>) src(%dma_wait3A_590 : memref<1000000x64xf32, #tpu.memory_space<hbm>>) dst(%dma_wait3A_584 : memref<128x64xf32, #tpu.memory_space<vmem>>)
      %dma_wait3A_591 = arith.constant 1 : i32
      %dma_wait3A_592 = arith.constant 1 : i32
      %dma_wait3A_593 = arith.constant 0 : i32
      %dma_wait3A_594 = arith.constant 0 : i32
      %dma_wait3A_595 = tpu.memref_slice %arg6[%dma_wait3A_592, %dma_wait3A_593, %dma_wait3A_594] : memref<2x640x64xf32, #tpu.memory_space<vmem>> -> memref<1x640x64xf32, #tpu.memory_space<vmem>>
      %dma_wait3A_596 = tpu.memref_squeeze %dma_wait3A_595 : memref<1x640x64xf32, #tpu.memory_space<vmem>> -> memref<640x64xf32, #tpu.memory_space<vmem>>
      %dma_wait3A_597 = arith.constant 128 : i32
      %dma_wait3A_598 = arith.constant 0 : i32
      %dma_wait3A_599 = tpu.memref_slice %dma_wait3A_596[%dma_wait3A_597, %dma_wait3A_598] : memref<640x64xf32, #tpu.memory_space<vmem>> -> memref<128x64xf32, #tpu.memory_space<vmem>>
      %dma_wait3A_600 = arith.constant 0 : i32
      %dma_wait3A_601 = tpu.memref_slice %arg5[%dma_wait3A_591, %dma_wait3A_600] : memref<200x128xi32, #tpu.memory_space<vmem>> -> memref<1x128xi32, #tpu.memory_space<vmem>>
      %dma_wait3A_602 = tpu.memref_squeeze %dma_wait3A_601 : memref<1x128xi32, #tpu.memory_space<vmem>> -> memref<128xi32, #tpu.memory_space<vmem>>
      %dma_wait3A_603 = arith.constant 0 : i32
      %dma_wait3A_604 = arith.constant 0 : i32
      %dma_wait3A_605 = tpu.memref_slice %arg2[%dma_wait3A_603, %dma_wait3A_604] : memref<1000000x64xf32, #tpu.memory_space<hbm>> -> memref<1000000x64xf32, #tpu.memory_space<hbm>>
      tpu.wait_indirect_dma semaphore(%arg8 : memref<!tpu.dma_semaphore, #tpu.memory_space<semaphore_mem>>) src(%dma_wait3A_605 : memref<1000000x64xf32, #tpu.memory_space<hbm>>) dst(%dma_wait3A_599 : memref<128x64xf32, #tpu.memory_space<vmem>>)
      %dma_wait3A_606 = arith.constant 2 : i32
      %dma_wait3A_607 = arith.constant 1 : i32
      %dma_wait3A_608 = arith.constant 0 : i32
      %dma_wait3A_609 = arith.constant 0 : i32
      %dma_wait3A_610 = tpu.memref_slice %arg6[%dma_wait3A_607, %dma_wait3A_608, %dma_wait3A_609] : memref<2x640x64xf32, #tpu.memory_space<vmem>> -> memref<1x640x64xf32, #tpu.memory_space<vmem>>
      %dma_wait3A_611 = tpu.memref_squeeze %dma_wait3A_610 : memref<1x640x64xf32, #tpu.memory_space<vmem>> -> memref<640x64xf32, #tpu.memory_space<vmem>>
      %dma_wait3A_612 = arith.constant 256 : i32
      %dma_wait3A_613 = arith.constant 0 : i32
      %dma_wait3A_614 = tpu.memref_slice %dma_wait3A_611[%dma_wait3A_612, %dma_wait3A_613] : memref<640x64xf32, #tpu.memory_space<vmem>> -> memref<128x64xf32, #tpu.memory_space<vmem>>
      %dma_wait3A_615 = arith.constant 0 : i32
      %dma_wait3A_616 = tpu.memref_slice %arg5[%dma_wait3A_606, %dma_wait3A_615] : memref<200x128xi32, #tpu.memory_space<vmem>> -> memref<1x128xi32, #tpu.memory_space<vmem>>
      %dma_wait3A_617 = tpu.memref_squeeze %dma_wait3A_616 : memref<1x128xi32, #tpu.memory_space<vmem>> -> memref<128xi32, #tpu.memory_space<vmem>>
      %dma_wait3A_618 = arith.constant 0 : i32
      %dma_wait3A_619 = arith.constant 0 : i32
      %dma_wait3A_620 = tpu.memref_slice %arg2[%dma_wait3A_618, %dma_wait3A_619] : memref<1000000x64xf32, #tpu.memory_space<hbm>> -> memref<1000000x64xf32, #tpu.memory_space<hbm>>
      tpu.wait_indirect_dma semaphore(%arg8 : memref<!tpu.dma_semaphore, #tpu.memory_space<semaphore_mem>>) src(%dma_wait3A_620 : memref<1000000x64xf32, #tpu.memory_space<hbm>>) dst(%dma_wait3A_614 : memref<128x64xf32, #tpu.memory_space<vmem>>)
      %dma_wait3A_621 = arith.constant 3 : i32
      %dma_wait3A_622 = arith.constant 1 : i32
      %dma_wait3A_623 = arith.constant 0 : i32
      %dma_wait3A_624 = arith.constant 0 : i32
      %dma_wait3A_625 = tpu.memref_slice %arg6[%dma_wait3A_622, %dma_wait3A_623, %dma_wait3A_624] : memref<2x640x64xf32, #tpu.memory_space<vmem>> -> memref<1x640x64xf32, #tpu.memory_space<vmem>>
      %dma_wait3A_626 = tpu.memref_squeeze %dma_wait3A_625 : memref<1x640x64xf32, #tpu.memory_space<vmem>> -> memref<640x64xf32, #tpu.memory_space<vmem>>
      %dma_wait3A_627 = arith.constant 384 : i32
      %dma_wait3A_628 = arith.constant 0 : i32
      %dma_wait3A_629 = tpu.memref_slice %dma_wait3A_626[%dma_wait3A_627, %dma_wait3A_628] : memref<640x64xf32, #tpu.memory_space<vmem>> -> memref<128x64xf32, #tpu.memory_space<vmem>>
      %dma_wait3A_630 = arith.constant 0 : i32
      %dma_wait3A_631 = tpu.memref_slice %arg5[%dma_wait3A_621, %dma_wait3A_630] : memref<200x128xi32, #tpu.memory_space<vmem>> -> memref<1x128xi32, #tpu.memory_space<vmem>>
      %dma_wait3A_632 = tpu.memref_squeeze %dma_wait3A_631 : memref<1x128xi32, #tpu.memory_space<vmem>> -> memref<128xi32, #tpu.memory_space<vmem>>
      %dma_wait3A_633 = arith.constant 0 : i32
      %dma_wait3A_634 = arith.constant 0 : i32
      %dma_wait3A_635 = tpu.memref_slice %arg2[%dma_wait3A_633, %dma_wait3A_634] : memref<1000000x64xf32, #tpu.memory_space<hbm>> -> memref<1000000x64xf32, #tpu.memory_space<hbm>>
      tpu.wait_indirect_dma semaphore(%arg8 : memref<!tpu.dma_semaphore, #tpu.memory_space<semaphore_mem>>) src(%dma_wait3A_635 : memref<1000000x64xf32, #tpu.memory_space<hbm>>) dst(%dma_wait3A_629 : memref<128x64xf32, #tpu.memory_space<vmem>>)
      %dma_wait3A_636 = arith.constant 4 : i32
      %dma_wait3A_637 = arith.constant 1 : i32
      %dma_wait3A_638 = arith.constant 0 : i32
      %dma_wait3A_639 = arith.constant 0 : i32
      %dma_wait3A_640 = tpu.memref_slice %arg6[%dma_wait3A_637, %dma_wait3A_638, %dma_wait3A_639] : memref<2x640x64xf32, #tpu.memory_space<vmem>> -> memref<1x640x64xf32, #tpu.memory_space<vmem>>
      %dma_wait3A_641 = tpu.memref_squeeze %dma_wait3A_640 : memref<1x640x64xf32, #tpu.memory_space<vmem>> -> memref<640x64xf32, #tpu.memory_space<vmem>>
      %dma_wait3A_642 = arith.constant 512 : i32
      %dma_wait3A_643 = arith.constant 0 : i32
      %dma_wait3A_644 = tpu.memref_slice %dma_wait3A_641[%dma_wait3A_642, %dma_wait3A_643] : memref<640x64xf32, #tpu.memory_space<vmem>> -> memref<128x64xf32, #tpu.memory_space<vmem>>
      %dma_wait3A_645 = arith.constant 0 : i32
      %dma_wait3A_646 = tpu.memref_slice %arg5[%dma_wait3A_636, %dma_wait3A_645] : memref<200x128xi32, #tpu.memory_space<vmem>> -> memref<1x128xi32, #tpu.memory_space<vmem>>
      %dma_wait3A_647 = tpu.memref_squeeze %dma_wait3A_646 : memref<1x128xi32, #tpu.memory_space<vmem>> -> memref<128xi32, #tpu.memory_space<vmem>>
      %dma_wait3A_648 = arith.constant 0 : i32
      %dma_wait3A_649 = arith.constant 0 : i32
      %dma_wait3A_650 = tpu.memref_slice %arg2[%dma_wait3A_648, %dma_wait3A_649] : memref<1000000x64xf32, #tpu.memory_space<hbm>> -> memref<1000000x64xf32, #tpu.memory_space<hbm>>
      tpu.wait_indirect_dma semaphore(%arg8 : memref<!tpu.dma_semaphore, #tpu.memory_space<semaphore_mem>>) src(%dma_wait3A_650 : memref<1000000x64xf32, #tpu.memory_space<hbm>>) dst(%dma_wait3A_644 : memref<128x64xf32, #tpu.memory_space<vmem>>)
      %mul3A_651 = arith.constant 640 : i32
      %mul3A_652 = arith.muli %add3A_575, %mul3A_651 : i32
      %add3A_653 = arith.addi %mul3A_4, %mul3A_652 : i32
      %dma_start3A_654 = arith.constant 1 : i32
      %dma_start3A_655 = arith.constant 0 : i32
      %dma_start3A_656 = arith.constant 0 : i32
      %dma_start3A_657 = tpu.memref_slice %arg6[%dma_start3A_654, %dma_start3A_655, %dma_start3A_656] : memref<2x640x64xf32, #tpu.memory_space<vmem>> -> memref<1x640x64xf32, #tpu.memory_space<vmem>>
      %dma_start3A_658 = tpu.memref_squeeze %dma_start3A_657 : memref<1x640x64xf32, #tpu.memory_space<vmem>> -> memref<640x64xf32, #tpu.memory_space<vmem>>
      %dma_start3A_659 = arith.constant 0 : i32
      %dma_start3A_660 = tpu.memref_slice %arg4[%add3A_653, %dma_start3A_659] : memref<819200x64xf32, #tpu.memory_space<hbm>> -> memref<640x64xf32, #tpu.memory_space<hbm>>
      %dma_start3A_661 = arith.constant 0 : i32
      %dma_start3A_662 = tpu.memref_slice %arg4[%add3A_653, %dma_start3A_661] : memref<819200x64xf32, #tpu.memory_space<hbm>> -> memref<640x64xf32, #tpu.memory_space<hbm>>
      %dma_start3A_663 = arith.constant 0 : i32
      %dma_start3A_664 = arith.constant 0 : i32
      %dma_start3A_665 = tpu.memref_slice %arg6[%dma_start3A_654, %dma_start3A_663, %dma_start3A_664] : memref<2x640x64xf32, #tpu.memory_space<vmem>> -> memref<1x640x64xf32, #tpu.memory_space<vmem>>
      %dma_start3A_666 = tpu.memref_squeeze %dma_start3A_665 : memref<1x640x64xf32, #tpu.memory_space<vmem>> -> memref<640x64xf32, #tpu.memory_space<vmem>>
      tpu.enqueue_dma source(%dma_start3A_666 : memref<640x64xf32, #tpu.memory_space<vmem>>) target(%dma_start3A_662 : memref<640x64xf32, #tpu.memory_space<hbm>>) target_semaphore(%arg10 : memref<!tpu.dma_semaphore, #tpu.memory_space<semaphore_mem>>)
      %mul3A_667 = arith.constant 640 : i32
      %mul3A_668 = arith.muli %add3A_575, %mul3A_667 : i32
      %add3A_669 = arith.addi %mul3A_4, %mul3A_668 : i32
      %dma_wait3A_670 = arith.constant 1 : i32
      %dma_wait3A_671 = arith.constant 0 : i32
      %dma_wait3A_672 = arith.constant 0 : i32
      %dma_wait3A_673 = tpu.memref_slice %arg6[%dma_wait3A_670, %dma_wait3A_671, %dma_wait3A_672] : memref<2x640x64xf32, #tpu.memory_space<vmem>> -> memref<1x640x64xf32, #tpu.memory_space<vmem>>
      %dma_wait3A_674 = tpu.memref_squeeze %dma_wait3A_673 : memref<1x640x64xf32, #tpu.memory_space<vmem>> -> memref<640x64xf32, #tpu.memory_space<vmem>>
      %dma_wait3A_675 = arith.constant 0 : i32
      %dma_wait3A_676 = tpu.memref_slice %arg4[%add3A_669, %dma_wait3A_675] : memref<819200x64xf32, #tpu.memory_space<hbm>> -> memref<640x64xf32, #tpu.memory_space<hbm>>
      %dma_wait3A_677 = arith.constant 0 : i32
      %dma_wait3A_678 = tpu.memref_slice %arg4[%add3A_669, %dma_wait3A_677] : memref<819200x64xf32, #tpu.memory_space<hbm>> -> memref<640x64xf32, #tpu.memory_space<hbm>>
      %dma_wait3A_679 = arith.constant 0 : i32
      %dma_wait3A_680 = arith.constant 0 : i32
      %dma_wait3A_681 = tpu.memref_slice %arg6[%dma_wait3A_670, %dma_wait3A_679, %dma_wait3A_680] : memref<2x640x64xf32, #tpu.memory_space<vmem>> -> memref<1x640x64xf32, #tpu.memory_space<vmem>>
      %dma_wait3A_682 = tpu.memref_squeeze %dma_wait3A_681 : memref<1x640x64xf32, #tpu.memory_space<vmem>> -> memref<640x64xf32, #tpu.memory_space<vmem>>
      tpu.wait_dma2 semaphore(%arg10 : memref<!tpu.dma_semaphore, #tpu.memory_space<semaphore_mem>>) src(%dma_wait3A_682 : memref<640x64xf32, #tpu.memory_space<vmem>>) dst(%dma_wait3A_678 : memref<640x64xf32, #tpu.memory_space<hbm>>)
      %add3A_683 = arith.constant 2 : i32
      %add3A_684 = arith.addi %add3A_575, %add3A_683 : i32
      %mul3A_685 = arith.constant 5 : i32
      %mul3A_686 = arith.muli %add3A_684, %mul3A_685 : i32
      %add3A_687 = arith.constant 0 : i32
      %add3A_688 = arith.addi %mul3A_686, %add3A_687 : i32
      %dma_start3A_689 = arith.constant 1 : i32
      %dma_start3A_690 = arith.constant 0 : i32
      %dma_start3A_691 = arith.constant 0 : i32
      %dma_start3A_692 = tpu.memref_slice %arg6[%dma_start3A_689, %dma_start3A_690, %dma_start3A_691] : memref<2x640x64xf32, #tpu.memory_space<vmem>> -> memref<1x640x64xf32, #tpu.memory_space<vmem>>
      %dma_start3A_693 = tpu.memref_squeeze %dma_start3A_692 : memref<1x640x64xf32, #tpu.memory_space<vmem>> -> memref<640x64xf32, #tpu.memory_space<vmem>>
      %dma_start3A_694 = arith.constant 0 : i32
      %dma_start3A_695 = arith.constant 0 : i32
      %dma_start3A_696 = tpu.memref_slice %dma_start3A_693[%dma_start3A_694, %dma_start3A_695] : memref<640x64xf32, #tpu.memory_space<vmem>> -> memref<128x64xf32, #tpu.memory_space<vmem>>
      %dma_start3A_697 = arith.constant 0 : i32
      %dma_start3A_698 = tpu.memref_slice %arg5[%add3A_688, %dma_start3A_697] : memref<200x128xi32, #tpu.memory_space<vmem>> -> memref<1x128xi32, #tpu.memory_space<vmem>>
      %dma_start3A_699 = tpu.memref_squeeze %dma_start3A_698 : memref<1x128xi32, #tpu.memory_space<vmem>> -> memref<128xi32, #tpu.memory_space<vmem>>
      %dma_start3A_700 = arith.constant 0 : i32
      %dma_start3A_701 = arith.constant 0 : i32
      %dma_start3A_702 = tpu.memref_slice %arg2[%dma_start3A_700, %dma_start3A_701] : memref<1000000x64xf32, #tpu.memory_space<hbm>> -> memref<1000000x64xf32, #tpu.memory_space<hbm>>
      tpu.enqueue_indirect_dma source(%dma_start3A_702 : memref<1000000x64xf32, #tpu.memory_space<hbm>>) target(%dma_start3A_696 : memref<128x64xf32, #tpu.memory_space<vmem>>) offsets(%dma_start3A_699 : memref<128xi32, #tpu.memory_space<vmem>>) semaphore(%arg8 : memref<!tpu.dma_semaphore, #tpu.memory_space<semaphore_mem>>)
      %mul3A_703 = arith.constant 5 : i32
      %mul3A_704 = arith.muli %add3A_684, %mul3A_703 : i32
      %add3A_705 = arith.constant 1 : i32
      %add3A_706 = arith.addi %mul3A_704, %add3A_705 : i32
      %dma_start3A_707 = arith.constant 1 : i32
      %dma_start3A_708 = arith.constant 0 : i32
      %dma_start3A_709 = arith.constant 0 : i32
      %dma_start3A_710 = tpu.memref_slice %arg6[%dma_start3A_707, %dma_start3A_708, %dma_start3A_709] : memref<2x640x64xf32, #tpu.memory_space<vmem>> -> memref<1x640x64xf32, #tpu.memory_space<vmem>>
      %dma_start3A_711 = tpu.memref_squeeze %dma_start3A_710 : memref<1x640x64xf32, #tpu.memory_space<vmem>> -> memref<640x64xf32, #tpu.memory_space<vmem>>
      %dma_start3A_712 = arith.constant 128 : i32
      %dma_start3A_713 = arith.constant 0 : i32
      %dma_start3A_714 = tpu.memref_slice %dma_start3A_711[%dma_start3A_712, %dma_start3A_713] : memref<640x64xf32, #tpu.memory_space<vmem>> -> memref<128x64xf32, #tpu.memory_space<vmem>>
      %dma_start3A_715 = arith.constant 0 : i32
      %dma_start3A_716 = tpu.memref_slice %arg5[%add3A_706, %dma_start3A_715] : memref<200x128xi32, #tpu.memory_space<vmem>> -> memref<1x128xi32, #tpu.memory_space<vmem>>
      %dma_start3A_717 = tpu.memref_squeeze %dma_start3A_716 : memref<1x128xi32, #tpu.memory_space<vmem>> -> memref<128xi32, #tpu.memory_space<vmem>>
      %dma_start3A_718 = arith.constant 0 : i32
      %dma_start3A_719 = arith.constant 0 : i32
      %dma_start3A_720 = tpu.memref_slice %arg2[%dma_start3A_718, %dma_start3A_719] : memref<1000000x64xf32, #tpu.memory_space<hbm>> -> memref<1000000x64xf32, #tpu.memory_space<hbm>>
      tpu.enqueue_indirect_dma source(%dma_start3A_720 : memref<1000000x64xf32, #tpu.memory_space<hbm>>) target(%dma_start3A_714 : memref<128x64xf32, #tpu.memory_space<vmem>>) offsets(%dma_start3A_717 : memref<128xi32, #tpu.memory_space<vmem>>) semaphore(%arg8 : memref<!tpu.dma_semaphore, #tpu.memory_space<semaphore_mem>>)
      %mul3A_721 = arith.constant 5 : i32
      %mul3A_722 = arith.muli %add3A_684, %mul3A_721 : i32
      %add3A_723 = arith.constant 2 : i32
      %add3A_724 = arith.addi %mul3A_722, %add3A_723 : i32
      %dma_start3A_725 = arith.constant 1 : i32
      %dma_start3A_726 = arith.constant 0 : i32
      %dma_start3A_727 = arith.constant 0 : i32
      %dma_start3A_728 = tpu.memref_slice %arg6[%dma_start3A_725, %dma_start3A_726, %dma_start3A_727] : memref<2x640x64xf32, #tpu.memory_space<vmem>> -> memref<1x640x64xf32, #tpu.memory_space<vmem>>
      %dma_start3A_729 = tpu.memref_squeeze %dma_start3A_728 : memref<1x640x64xf32, #tpu.memory_space<vmem>> -> memref<640x64xf32, #tpu.memory_space<vmem>>
      %dma_start3A_730 = arith.constant 256 : i32
      %dma_start3A_731 = arith.constant 0 : i32
      %dma_start3A_732 = tpu.memref_slice %dma_start3A_729[%dma_start3A_730, %dma_start3A_731] : memref<640x64xf32, #tpu.memory_space<vmem>> -> memref<128x64xf32, #tpu.memory_space<vmem>>
      %dma_start3A_733 = arith.constant 0 : i32
      %dma_start3A_734 = tpu.memref_slice %arg5[%add3A_724, %dma_start3A_733] : memref<200x128xi32, #tpu.memory_space<vmem>> -> memref<1x128xi32, #tpu.memory_space<vmem>>
      %dma_start3A_735 = tpu.memref_squeeze %dma_start3A_734 : memref<1x128xi32, #tpu.memory_space<vmem>> -> memref<128xi32, #tpu.memory_space<vmem>>
      %dma_start3A_736 = arith.constant 0 : i32
      %dma_start3A_737 = arith.constant 0 : i32
      %dma_start3A_738 = tpu.memref_slice %arg2[%dma_start3A_736, %dma_start3A_737] : memref<1000000x64xf32, #tpu.memory_space<hbm>> -> memref<1000000x64xf32, #tpu.memory_space<hbm>>
      tpu.enqueue_indirect_dma source(%dma_start3A_738 : memref<1000000x64xf32, #tpu.memory_space<hbm>>) target(%dma_start3A_732 : memref<128x64xf32, #tpu.memory_space<vmem>>) offsets(%dma_start3A_735 : memref<128xi32, #tpu.memory_space<vmem>>) semaphore(%arg8 : memref<!tpu.dma_semaphore, #tpu.memory_space<semaphore_mem>>)
      %mul3A_739 = arith.constant 5 : i32
      %mul3A_740 = arith.muli %add3A_684, %mul3A_739 : i32
      %add3A_741 = arith.constant 3 : i32
      %add3A_742 = arith.addi %mul3A_740, %add3A_741 : i32
      %dma_start3A_743 = arith.constant 1 : i32
      %dma_start3A_744 = arith.constant 0 : i32
      %dma_start3A_745 = arith.constant 0 : i32
      %dma_start3A_746 = tpu.memref_slice %arg6[%dma_start3A_743, %dma_start3A_744, %dma_start3A_745] : memref<2x640x64xf32, #tpu.memory_space<vmem>> -> memref<1x640x64xf32, #tpu.memory_space<vmem>>
      %dma_start3A_747 = tpu.memref_squeeze %dma_start3A_746 : memref<1x640x64xf32, #tpu.memory_space<vmem>> -> memref<640x64xf32, #tpu.memory_space<vmem>>
      %dma_start3A_748 = arith.constant 384 : i32
      %dma_start3A_749 = arith.constant 0 : i32
      %dma_start3A_750 = tpu.memref_slice %dma_start3A_747[%dma_start3A_748, %dma_start3A_749] : memref<640x64xf32, #tpu.memory_space<vmem>> -> memref<128x64xf32, #tpu.memory_space<vmem>>
      %dma_start3A_751 = arith.constant 0 : i32
      %dma_start3A_752 = tpu.memref_slice %arg5[%add3A_742, %dma_start3A_751] : memref<200x128xi32, #tpu.memory_space<vmem>> -> memref<1x128xi32, #tpu.memory_space<vmem>>
      %dma_start3A_753 = tpu.memref_squeeze %dma_start3A_752 : memref<1x128xi32, #tpu.memory_space<vmem>> -> memref<128xi32, #tpu.memory_space<vmem>>
      %dma_start3A_754 = arith.constant 0 : i32
      %dma_start3A_755 = arith.constant 0 : i32
      %dma_start3A_756 = tpu.memref_slice %arg2[%dma_start3A_754, %dma_start3A_755] : memref<1000000x64xf32, #tpu.memory_space<hbm>> -> memref<1000000x64xf32, #tpu.memory_space<hbm>>
      tpu.enqueue_indirect_dma source(%dma_start3A_756 : memref<1000000x64xf32, #tpu.memory_space<hbm>>) target(%dma_start3A_750 : memref<128x64xf32, #tpu.memory_space<vmem>>) offsets(%dma_start3A_753 : memref<128xi32, #tpu.memory_space<vmem>>) semaphore(%arg8 : memref<!tpu.dma_semaphore, #tpu.memory_space<semaphore_mem>>)
      %mul3A_757 = arith.constant 5 : i32
      %mul3A_758 = arith.muli %add3A_684, %mul3A_757 : i32
      %add3A_759 = arith.constant 4 : i32
      %add3A_760 = arith.addi %mul3A_758, %add3A_759 : i32
      %dma_start3A_761 = arith.constant 1 : i32
      %dma_start3A_762 = arith.constant 0 : i32
      %dma_start3A_763 = arith.constant 0 : i32
      %dma_start3A_764 = tpu.memref_slice %arg6[%dma_start3A_761, %dma_start3A_762, %dma_start3A_763] : memref<2x640x64xf32, #tpu.memory_space<vmem>> -> memref<1x640x64xf32, #tpu.memory_space<vmem>>
      %dma_start3A_765 = tpu.memref_squeeze %dma_start3A_764 : memref<1x640x64xf32, #tpu.memory_space<vmem>> -> memref<640x64xf32, #tpu.memory_space<vmem>>
      %dma_start3A_766 = arith.constant 512 : i32
      %dma_start3A_767 = arith.constant 0 : i32
      %dma_start3A_768 = tpu.memref_slice %dma_start3A_765[%dma_start3A_766, %dma_start3A_767] : memref<640x64xf32, #tpu.memory_space<vmem>> -> memref<128x64xf32, #tpu.memory_space<vmem>>
      %dma_start3A_769 = arith.constant 0 : i32
      %dma_start3A_770 = tpu.memref_slice %arg5[%add3A_760, %dma_start3A_769] : memref<200x128xi32, #tpu.memory_space<vmem>> -> memref<1x128xi32, #tpu.memory_space<vmem>>
      %dma_start3A_771 = tpu.memref_squeeze %dma_start3A_770 : memref<1x128xi32, #tpu.memory_space<vmem>> -> memref<128xi32, #tpu.memory_space<vmem>>
      %dma_start3A_772 = arith.constant 0 : i32
      %dma_start3A_773 = arith.constant 0 : i32
      %dma_start3A_774 = tpu.memref_slice %arg2[%dma_start3A_772, %dma_start3A_773] : memref<1000000x64xf32, #tpu.memory_space<hbm>> -> memref<1000000x64xf32, #tpu.memory_space<hbm>>
      tpu.enqueue_indirect_dma source(%dma_start3A_774 : memref<1000000x64xf32, #tpu.memory_space<hbm>>) target(%dma_start3A_768 : memref<128x64xf32, #tpu.memory_space<vmem>>) offsets(%dma_start3A_771 : memref<128xi32, #tpu.memory_space<vmem>>) semaphore(%arg8 : memref<!tpu.dma_semaphore, #tpu.memory_space<semaphore_mem>>)
    }
    %scan3A_158 = arith.constant 19 : i32
    %dma_wait3A = arith.constant 0 : i32
    %dma_wait3A_159 = arith.constant 0 : i32
    %dma_wait3A_160 = arith.constant 0 : i32
    %dma_wait3A_161 = arith.constant 0 : i32
    %dma_wait3A_162 = tpu.memref_slice %arg6[%dma_wait3A_159, %dma_wait3A_160, %dma_wait3A_161] : memref<2x640x64xf32, #tpu.memory_space<vmem>> -> memref<1x640x64xf32, #tpu.memory_space<vmem>>
    %dma_wait3A_163 = tpu.memref_squeeze %dma_wait3A_162 : memref<1x640x64xf32, #tpu.memory_space<vmem>> -> memref<640x64xf32, #tpu.memory_space<vmem>>
    %dma_wait3A_164 = arith.constant 0 : i32
    %dma_wait3A_165 = arith.constant 0 : i32
    %dma_wait3A_166 = tpu.memref_slice %dma_wait3A_163[%dma_wait3A_164, %dma_wait3A_165] : memref<640x64xf32, #tpu.memory_space<vmem>> -> memref<128x64xf32, #tpu.memory_space<vmem>>
    %dma_wait3A_167 = arith.constant 0 : i32
    %dma_wait3A_168 = tpu.memref_slice %arg5[%dma_wait3A, %dma_wait3A_167] : memref<200x128xi32, #tpu.memory_space<vmem>> -> memref<1x128xi32, #tpu.memory_space<vmem>>
    %dma_wait3A_169 = tpu.memref_squeeze %dma_wait3A_168 : memref<1x128xi32, #tpu.memory_space<vmem>> -> memref<128xi32, #tpu.memory_space<vmem>>
    %dma_wait3A_170 = arith.constant 0 : i32
    %dma_wait3A_171 = arith.constant 0 : i32
    %dma_wait3A_172 = tpu.memref_slice %arg2[%dma_wait3A_170, %dma_wait3A_171] : memref<1000000x64xf32, #tpu.memory_space<hbm>> -> memref<1000000x64xf32, #tpu.memory_space<hbm>>
    tpu.wait_indirect_dma semaphore(%arg7 : memref<!tpu.dma_semaphore, #tpu.memory_space<semaphore_mem>>) src(%dma_wait3A_172 : memref<1000000x64xf32, #tpu.memory_space<hbm>>) dst(%dma_wait3A_166 : memref<128x64xf32, #tpu.memory_space<vmem>>)
    %dma_wait3A_173 = arith.constant 1 : i32
    %dma_wait3A_174 = arith.constant 0 : i32
    %dma_wait3A_175 = arith.constant 0 : i32
    %dma_wait3A_176 = arith.constant 0 : i32
    %dma_wait3A_177 = tpu.memref_slice %arg6[%dma_wait3A_174, %dma_wait3A_175, %dma_wait3A_176] : memref<2x640x64xf32, #tpu.memory_space<vmem>> -> memref<1x640x64xf32, #tpu.memory_space<vmem>>
    %dma_wait3A_178 = tpu.memref_squeeze %dma_wait3A_177 : memref<1x640x64xf32, #tpu.memory_space<vmem>> -> memref<640x64xf32, #tpu.memory_space<vmem>>
    %dma_wait3A_179 = arith.constant 128 : i32
    %dma_wait3A_180 = arith.constant 0 : i32
    %dma_wait3A_181 = tpu.memref_slice %dma_wait3A_178[%dma_wait3A_179, %dma_wait3A_180] : memref<640x64xf32, #tpu.memory_space<vmem>> -> memref<128x64xf32, #tpu.memory_space<vmem>>
    %dma_wait3A_182 = arith.constant 0 : i32
    %dma_wait3A_183 = tpu.memref_slice %arg5[%dma_wait3A_173, %dma_wait3A_182] : memref<200x128xi32, #tpu.memory_space<vmem>> -> memref<1x128xi32, #tpu.memory_space<vmem>>
    %dma_wait3A_184 = tpu.memref_squeeze %dma_wait3A_183 : memref<1x128xi32, #tpu.memory_space<vmem>> -> memref<128xi32, #tpu.memory_space<vmem>>
    %dma_wait3A_185 = arith.constant 0 : i32
    %dma_wait3A_186 = arith.constant 0 : i32
    %dma_wait3A_187 = tpu.memref_slice %arg2[%dma_wait3A_185, %dma_wait3A_186] : memref<1000000x64xf32, #tpu.memory_space<hbm>> -> memref<1000000x64xf32, #tpu.memory_space<hbm>>
    tpu.wait_indirect_dma semaphore(%arg7 : memref<!tpu.dma_semaphore, #tpu.memory_space<semaphore_mem>>) src(%dma_wait3A_187 : memref<1000000x64xf32, #tpu.memory_space<hbm>>) dst(%dma_wait3A_181 : memref<128x64xf32, #tpu.memory_space<vmem>>)
    %dma_wait3A_188 = arith.constant 2 : i32
    %dma_wait3A_189 = arith.constant 0 : i32
    %dma_wait3A_190 = arith.constant 0 : i32
    %dma_wait3A_191 = arith.constant 0 : i32
    %dma_wait3A_192 = tpu.memref_slice %arg6[%dma_wait3A_189, %dma_wait3A_190, %dma_wait3A_191] : memref<2x640x64xf32, #tpu.memory_space<vmem>> -> memref<1x640x64xf32, #tpu.memory_space<vmem>>
    %dma_wait3A_193 = tpu.memref_squeeze %dma_wait3A_192 : memref<1x640x64xf32, #tpu.memory_space<vmem>> -> memref<640x64xf32, #tpu.memory_space<vmem>>
    %dma_wait3A_194 = arith.constant 256 : i32
    %dma_wait3A_195 = arith.constant 0 : i32
    %dma_wait3A_196 = tpu.memref_slice %dma_wait3A_193[%dma_wait3A_194, %dma_wait3A_195] : memref<640x64xf32, #tpu.memory_space<vmem>> -> memref<128x64xf32, #tpu.memory_space<vmem>>
    %dma_wait3A_197 = arith.constant 0 : i32
    %dma_wait3A_198 = tpu.memref_slice %arg5[%dma_wait3A_188, %dma_wait3A_197] : memref<200x128xi32, #tpu.memory_space<vmem>> -> memref<1x128xi32, #tpu.memory_space<vmem>>
    %dma_wait3A_199 = tpu.memref_squeeze %dma_wait3A_198 : memref<1x128xi32, #tpu.memory_space<vmem>> -> memref<128xi32, #tpu.memory_space<vmem>>
    %dma_wait3A_200 = arith.constant 0 : i32
    %dma_wait3A_201 = arith.constant 0 : i32
    %dma_wait3A_202 = tpu.memref_slice %arg2[%dma_wait3A_200, %dma_wait3A_201] : memref<1000000x64xf32, #tpu.memory_space<hbm>> -> memref<1000000x64xf32, #tpu.memory_space<hbm>>
    tpu.wait_indirect_dma semaphore(%arg7 : memref<!tpu.dma_semaphore, #tpu.memory_space<semaphore_mem>>) src(%dma_wait3A_202 : memref<1000000x64xf32, #tpu.memory_space<hbm>>) dst(%dma_wait3A_196 : memref<128x64xf32, #tpu.memory_space<vmem>>)
    %dma_wait3A_203 = arith.constant 3 : i32
    %dma_wait3A_204 = arith.constant 0 : i32
    %dma_wait3A_205 = arith.constant 0 : i32
    %dma_wait3A_206 = arith.constant 0 : i32
    %dma_wait3A_207 = tpu.memref_slice %arg6[%dma_wait3A_204, %dma_wait3A_205, %dma_wait3A_206] : memref<2x640x64xf32, #tpu.memory_space<vmem>> -> memref<1x640x64xf32, #tpu.memory_space<vmem>>
    %dma_wait3A_208 = tpu.memref_squeeze %dma_wait3A_207 : memref<1x640x64xf32, #tpu.memory_space<vmem>> -> memref<640x64xf32, #tpu.memory_space<vmem>>
    %dma_wait3A_209 = arith.constant 384 : i32
    %dma_wait3A_210 = arith.constant 0 : i32
    %dma_wait3A_211 = tpu.memref_slice %dma_wait3A_208[%dma_wait3A_209, %dma_wait3A_210] : memref<640x64xf32, #tpu.memory_space<vmem>> -> memref<128x64xf32, #tpu.memory_space<vmem>>
    %dma_wait3A_212 = arith.constant 0 : i32
    %dma_wait3A_213 = tpu.memref_slice %arg5[%dma_wait3A_203, %dma_wait3A_212] : memref<200x128xi32, #tpu.memory_space<vmem>> -> memref<1x128xi32, #tpu.memory_space<vmem>>
    %dma_wait3A_214 = tpu.memref_squeeze %dma_wait3A_213 : memref<1x128xi32, #tpu.memory_space<vmem>> -> memref<128xi32, #tpu.memory_space<vmem>>
    %dma_wait3A_215 = arith.constant 0 : i32
    %dma_wait3A_216 = arith.constant 0 : i32
    %dma_wait3A_217 = tpu.memref_slice %arg2[%dma_wait3A_215, %dma_wait3A_216] : memref<1000000x64xf32, #tpu.memory_space<hbm>> -> memref<1000000x64xf32, #tpu.memory_space<hbm>>
    tpu.wait_indirect_dma semaphore(%arg7 : memref<!tpu.dma_semaphore, #tpu.memory_space<semaphore_mem>>) src(%dma_wait3A_217 : memref<1000000x64xf32, #tpu.memory_space<hbm>>) dst(%dma_wait3A_211 : memref<128x64xf32, #tpu.memory_space<vmem>>)
    %dma_wait3A_218 = arith.constant 4 : i32
    %dma_wait3A_219 = arith.constant 0 : i32
    %dma_wait3A_220 = arith.constant 0 : i32
    %dma_wait3A_221 = arith.constant 0 : i32
    %dma_wait3A_222 = tpu.memref_slice %arg6[%dma_wait3A_219, %dma_wait3A_220, %dma_wait3A_221] : memref<2x640x64xf32, #tpu.memory_space<vmem>> -> memref<1x640x64xf32, #tpu.memory_space<vmem>>
    %dma_wait3A_223 = tpu.memref_squeeze %dma_wait3A_222 : memref<1x640x64xf32, #tpu.memory_space<vmem>> -> memref<640x64xf32, #tpu.memory_space<vmem>>
    %dma_wait3A_224 = arith.constant 512 : i32
    %dma_wait3A_225 = arith.constant 0 : i32
    %dma_wait3A_226 = tpu.memref_slice %dma_wait3A_223[%dma_wait3A_224, %dma_wait3A_225] : memref<640x64xf32, #tpu.memory_space<vmem>> -> memref<128x64xf32, #tpu.memory_space<vmem>>
    %dma_wait3A_227 = arith.constant 0 : i32
    %dma_wait3A_228 = tpu.memref_slice %arg5[%dma_wait3A_218, %dma_wait3A_227] : memref<200x128xi32, #tpu.memory_space<vmem>> -> memref<1x128xi32, #tpu.memory_space<vmem>>
    %dma_wait3A_229 = tpu.memref_squeeze %dma_wait3A_228 : memref<1x128xi32, #tpu.memory_space<vmem>> -> memref<128xi32, #tpu.memory_space<vmem>>
    %dma_wait3A_230 = arith.constant 0 : i32
    %dma_wait3A_231 = arith.constant 0 : i32
    %dma_wait3A_232 = tpu.memref_slice %arg2[%dma_wait3A_230, %dma_wait3A_231] : memref<1000000x64xf32, #tpu.memory_space<hbm>> -> memref<1000000x64xf32, #tpu.memory_space<hbm>>
    tpu.wait_indirect_dma semaphore(%arg7 : memref<!tpu.dma_semaphore, #tpu.memory_space<semaphore_mem>>) src(%dma_wait3A_232 : memref<1000000x64xf32, #tpu.memory_space<hbm>>) dst(%dma_wait3A_226 : memref<128x64xf32, #tpu.memory_space<vmem>>)
    %add3A_233 = arith.constant 24320 : i32
    %add3A_234 = arith.addi %mul3A_4, %add3A_233 : i32
    %dma_start3A_235 = arith.constant 0 : i32
    %dma_start3A_236 = arith.constant 0 : i32
    %dma_start3A_237 = arith.constant 0 : i32
    %dma_start3A_238 = tpu.memref_slice %arg6[%dma_start3A_235, %dma_start3A_236, %dma_start3A_237] : memref<2x640x64xf32, #tpu.memory_space<vmem>> -> memref<1x640x64xf32, #tpu.memory_space<vmem>>
    %dma_start3A_239 = tpu.memref_squeeze %dma_start3A_238 : memref<1x640x64xf32, #tpu.memory_space<vmem>> -> memref<640x64xf32, #tpu.memory_space<vmem>>
    %dma_start3A_240 = arith.constant 0 : i32
    %dma_start3A_241 = tpu.memref_slice %arg4[%add3A_234, %dma_start3A_240] : memref<819200x64xf32, #tpu.memory_space<hbm>> -> memref<640x64xf32, #tpu.memory_space<hbm>>
    %dma_start3A_242 = arith.constant 0 : i32
    %dma_start3A_243 = tpu.memref_slice %arg4[%add3A_234, %dma_start3A_242] : memref<819200x64xf32, #tpu.memory_space<hbm>> -> memref<640x64xf32, #tpu.memory_space<hbm>>
    %dma_start3A_244 = arith.constant 0 : i32
    %dma_start3A_245 = arith.constant 0 : i32
    %dma_start3A_246 = tpu.memref_slice %arg6[%dma_start3A_235, %dma_start3A_244, %dma_start3A_245] : memref<2x640x64xf32, #tpu.memory_space<vmem>> -> memref<1x640x64xf32, #tpu.memory_space<vmem>>
    %dma_start3A_247 = tpu.memref_squeeze %dma_start3A_246 : memref<1x640x64xf32, #tpu.memory_space<vmem>> -> memref<640x64xf32, #tpu.memory_space<vmem>>
    tpu.enqueue_dma source(%dma_start3A_247 : memref<640x64xf32, #tpu.memory_space<vmem>>) target(%dma_start3A_243 : memref<640x64xf32, #tpu.memory_space<hbm>>) target_semaphore(%arg9 : memref<!tpu.dma_semaphore, #tpu.memory_space<semaphore_mem>>)
    %add3A_248 = arith.constant 24320 : i32
    %add3A_249 = arith.addi %mul3A_4, %add3A_248 : i32
    %dma_wait3A_250 = arith.constant 0 : i32
    %dma_wait3A_251 = arith.constant 0 : i32
    %dma_wait3A_252 = arith.constant 0 : i32
    %dma_wait3A_253 = tpu.memref_slice %arg6[%dma_wait3A_250, %dma_wait3A_251, %dma_wait3A_252] : memref<2x640x64xf32, #tpu.memory_space<vmem>> -> memref<1x640x64xf32, #tpu.memory_space<vmem>>
    %dma_wait3A_254 = tpu.memref_squeeze %dma_wait3A_253 : memref<1x640x64xf32, #tpu.memory_space<vmem>> -> memref<640x64xf32, #tpu.memory_space<vmem>>
    %dma_wait3A_255 = arith.constant 0 : i32
    %dma_wait3A_256 = tpu.memref_slice %arg4[%add3A_249, %dma_wait3A_255] : memref<819200x64xf32, #tpu.memory_space<hbm>> -> memref<640x64xf32, #tpu.memory_space<hbm>>
    %dma_wait3A_257 = arith.constant 0 : i32
    %dma_wait3A_258 = tpu.memref_slice %arg4[%add3A_249, %dma_wait3A_257] : memref<819200x64xf32, #tpu.memory_space<hbm>> -> memref<640x64xf32, #tpu.memory_space<hbm>>
    %dma_wait3A_259 = arith.constant 0 : i32
    %dma_wait3A_260 = arith.constant 0 : i32
    %dma_wait3A_261 = tpu.memref_slice %arg6[%dma_wait3A_250, %dma_wait3A_259, %dma_wait3A_260] : memref<2x640x64xf32, #tpu.memory_space<vmem>> -> memref<1x640x64xf32, #tpu.memory_space<vmem>>
    %dma_wait3A_262 = tpu.memref_squeeze %dma_wait3A_261 : memref<1x640x64xf32, #tpu.memory_space<vmem>> -> memref<640x64xf32, #tpu.memory_space<vmem>>
    tpu.wait_dma2 semaphore(%arg9 : memref<!tpu.dma_semaphore, #tpu.memory_space<semaphore_mem>>) src(%dma_wait3A_262 : memref<640x64xf32, #tpu.memory_space<vmem>>) dst(%dma_wait3A_258 : memref<640x64xf32, #tpu.memory_space<hbm>>)
    %dma_wait3A_263 = arith.constant 0 : i32
    %dma_wait3A_264 = arith.constant 1 : i32
    %dma_wait3A_265 = arith.constant 0 : i32
    %dma_wait3A_266 = arith.constant 0 : i32
    %dma_wait3A_267 = tpu.memref_slice %arg6[%dma_wait3A_264, %dma_wait3A_265, %dma_wait3A_266] : memref<2x640x64xf32, #tpu.memory_space<vmem>> -> memref<1x640x64xf32, #tpu.memory_space<vmem>>
    %dma_wait3A_268 = tpu.memref_squeeze %dma_wait3A_267 : memref<1x640x64xf32, #tpu.memory_space<vmem>> -> memref<640x64xf32, #tpu.memory_space<vmem>>
    %dma_wait3A_269 = arith.constant 0 : i32
    %dma_wait3A_270 = arith.constant 0 : i32
    %dma_wait3A_271 = tpu.memref_slice %dma_wait3A_268[%dma_wait3A_269, %dma_wait3A_270] : memref<640x64xf32, #tpu.memory_space<vmem>> -> memref<128x64xf32, #tpu.memory_space<vmem>>
    %dma_wait3A_272 = arith.constant 0 : i32
    %dma_wait3A_273 = tpu.memref_slice %arg5[%dma_wait3A_263, %dma_wait3A_272] : memref<200x128xi32, #tpu.memory_space<vmem>> -> memref<1x128xi32, #tpu.memory_space<vmem>>
    %dma_wait3A_274 = tpu.memref_squeeze %dma_wait3A_273 : memref<1x128xi32, #tpu.memory_space<vmem>> -> memref<128xi32, #tpu.memory_space<vmem>>
    %dma_wait3A_275 = arith.constant 0 : i32
    %dma_wait3A_276 = arith.constant 0 : i32
    %dma_wait3A_277 = tpu.memref_slice %arg2[%dma_wait3A_275, %dma_wait3A_276] : memref<1000000x64xf32, #tpu.memory_space<hbm>> -> memref<1000000x64xf32, #tpu.memory_space<hbm>>
    tpu.wait_indirect_dma semaphore(%arg8 : memref<!tpu.dma_semaphore, #tpu.memory_space<semaphore_mem>>) src(%dma_wait3A_277 : memref<1000000x64xf32, #tpu.memory_space<hbm>>) dst(%dma_wait3A_271 : memref<128x64xf32, #tpu.memory_space<vmem>>)
    %dma_wait3A_278 = arith.constant 1 : i32
    %dma_wait3A_279 = arith.constant 1 : i32
    %dma_wait3A_280 = arith.constant 0 : i32
    %dma_wait3A_281 = arith.constant 0 : i32
    %dma_wait3A_282 = tpu.memref_slice %arg6[%dma_wait3A_279, %dma_wait3A_280, %dma_wait3A_281] : memref<2x640x64xf32, #tpu.memory_space<vmem>> -> memref<1x640x64xf32, #tpu.memory_space<vmem>>
    %dma_wait3A_283 = tpu.memref_squeeze %dma_wait3A_282 : memref<1x640x64xf32, #tpu.memory_space<vmem>> -> memref<640x64xf32, #tpu.memory_space<vmem>>
    %dma_wait3A_284 = arith.constant 128 : i32
    %dma_wait3A_285 = arith.constant 0 : i32
    %dma_wait3A_286 = tpu.memref_slice %dma_wait3A_283[%dma_wait3A_284, %dma_wait3A_285] : memref<640x64xf32, #tpu.memory_space<vmem>> -> memref<128x64xf32, #tpu.memory_space<vmem>>
    %dma_wait3A_287 = arith.constant 0 : i32
    %dma_wait3A_288 = tpu.memref_slice %arg5[%dma_wait3A_278, %dma_wait3A_287] : memref<200x128xi32, #tpu.memory_space<vmem>> -> memref<1x128xi32, #tpu.memory_space<vmem>>
    %dma_wait3A_289 = tpu.memref_squeeze %dma_wait3A_288 : memref<1x128xi32, #tpu.memory_space<vmem>> -> memref<128xi32, #tpu.memory_space<vmem>>
    %dma_wait3A_290 = arith.constant 0 : i32
    %dma_wait3A_291 = arith.constant 0 : i32
    %dma_wait3A_292 = tpu.memref_slice %arg2[%dma_wait3A_290, %dma_wait3A_291] : memref<1000000x64xf32, #tpu.memory_space<hbm>> -> memref<1000000x64xf32, #tpu.memory_space<hbm>>
    tpu.wait_indirect_dma semaphore(%arg8 : memref<!tpu.dma_semaphore, #tpu.memory_space<semaphore_mem>>) src(%dma_wait3A_292 : memref<1000000x64xf32, #tpu.memory_space<hbm>>) dst(%dma_wait3A_286 : memref<128x64xf32, #tpu.memory_space<vmem>>)
    %dma_wait3A_293 = arith.constant 2 : i32
    %dma_wait3A_294 = arith.constant 1 : i32
    %dma_wait3A_295 = arith.constant 0 : i32
    %dma_wait3A_296 = arith.constant 0 : i32
    %dma_wait3A_297 = tpu.memref_slice %arg6[%dma_wait3A_294, %dma_wait3A_295, %dma_wait3A_296] : memref<2x640x64xf32, #tpu.memory_space<vmem>> -> memref<1x640x64xf32, #tpu.memory_space<vmem>>
    %dma_wait3A_298 = tpu.memref_squeeze %dma_wait3A_297 : memref<1x640x64xf32, #tpu.memory_space<vmem>> -> memref<640x64xf32, #tpu.memory_space<vmem>>
    %dma_wait3A_299 = arith.constant 256 : i32
    %dma_wait3A_300 = arith.constant 0 : i32
    %dma_wait3A_301 = tpu.memref_slice %dma_wait3A_298[%dma_wait3A_299, %dma_wait3A_300] : memref<640x64xf32, #tpu.memory_space<vmem>> -> memref<128x64xf32, #tpu.memory_space<vmem>>
    %dma_wait3A_302 = arith.constant 0 : i32
    %dma_wait3A_303 = tpu.memref_slice %arg5[%dma_wait3A_293, %dma_wait3A_302] : memref<200x128xi32, #tpu.memory_space<vmem>> -> memref<1x128xi32, #tpu.memory_space<vmem>>
    %dma_wait3A_304 = tpu.memref_squeeze %dma_wait3A_303 : memref<1x128xi32, #tpu.memory_space<vmem>> -> memref<128xi32, #tpu.memory_space<vmem>>
    %dma_wait3A_305 = arith.constant 0 : i32
    %dma_wait3A_306 = arith.constant 0 : i32
    %dma_wait3A_307 = tpu.memref_slice %arg2[%dma_wait3A_305, %dma_wait3A_306] : memref<1000000x64xf32, #tpu.memory_space<hbm>> -> memref<1000000x64xf32, #tpu.memory_space<hbm>>
    tpu.wait_indirect_dma semaphore(%arg8 : memref<!tpu.dma_semaphore, #tpu.memory_space<semaphore_mem>>) src(%dma_wait3A_307 : memref<1000000x64xf32, #tpu.memory_space<hbm>>) dst(%dma_wait3A_301 : memref<128x64xf32, #tpu.memory_space<vmem>>)
    %dma_wait3A_308 = arith.constant 3 : i32
    %dma_wait3A_309 = arith.constant 1 : i32
    %dma_wait3A_310 = arith.constant 0 : i32
    %dma_wait3A_311 = arith.constant 0 : i32
    %dma_wait3A_312 = tpu.memref_slice %arg6[%dma_wait3A_309, %dma_wait3A_310, %dma_wait3A_311] : memref<2x640x64xf32, #tpu.memory_space<vmem>> -> memref<1x640x64xf32, #tpu.memory_space<vmem>>
    %dma_wait3A_313 = tpu.memref_squeeze %dma_wait3A_312 : memref<1x640x64xf32, #tpu.memory_space<vmem>> -> memref<640x64xf32, #tpu.memory_space<vmem>>
    %dma_wait3A_314 = arith.constant 384 : i32
    %dma_wait3A_315 = arith.constant 0 : i32
    %dma_wait3A_316 = tpu.memref_slice %dma_wait3A_313[%dma_wait3A_314, %dma_wait3A_315] : memref<640x64xf32, #tpu.memory_space<vmem>> -> memref<128x64xf32, #tpu.memory_space<vmem>>
    %dma_wait3A_317 = arith.constant 0 : i32
    %dma_wait3A_318 = tpu.memref_slice %arg5[%dma_wait3A_308, %dma_wait3A_317] : memref<200x128xi32, #tpu.memory_space<vmem>> -> memref<1x128xi32, #tpu.memory_space<vmem>>
    %dma_wait3A_319 = tpu.memref_squeeze %dma_wait3A_318 : memref<1x128xi32, #tpu.memory_space<vmem>> -> memref<128xi32, #tpu.memory_space<vmem>>
    %dma_wait3A_320 = arith.constant 0 : i32
    %dma_wait3A_321 = arith.constant 0 : i32
    %dma_wait3A_322 = tpu.memref_slice %arg2[%dma_wait3A_320, %dma_wait3A_321] : memref<1000000x64xf32, #tpu.memory_space<hbm>> -> memref<1000000x64xf32, #tpu.memory_space<hbm>>
    tpu.wait_indirect_dma semaphore(%arg8 : memref<!tpu.dma_semaphore, #tpu.memory_space<semaphore_mem>>) src(%dma_wait3A_322 : memref<1000000x64xf32, #tpu.memory_space<hbm>>) dst(%dma_wait3A_316 : memref<128x64xf32, #tpu.memory_space<vmem>>)
    %dma_wait3A_323 = arith.constant 4 : i32
    %dma_wait3A_324 = arith.constant 1 : i32
    %dma_wait3A_325 = arith.constant 0 : i32
    %dma_wait3A_326 = arith.constant 0 : i32
    %dma_wait3A_327 = tpu.memref_slice %arg6[%dma_wait3A_324, %dma_wait3A_325, %dma_wait3A_326] : memref<2x640x64xf32, #tpu.memory_space<vmem>> -> memref<1x640x64xf32, #tpu.memory_space<vmem>>
    %dma_wait3A_328 = tpu.memref_squeeze %dma_wait3A_327 : memref<1x640x64xf32, #tpu.memory_space<vmem>> -> memref<640x64xf32, #tpu.memory_space<vmem>>
    %dma_wait3A_329 = arith.constant 512 : i32
    %dma_wait3A_330 = arith.constant 0 : i32
    %dma_wait3A_331 = tpu.memref_slice %dma_wait3A_328[%dma_wait3A_329, %dma_wait3A_330] : memref<640x64xf32, #tpu.memory_space<vmem>> -> memref<128x64xf32, #tpu.memory_space<vmem>>
    %dma_wait3A_332 = arith.constant 0 : i32
    %dma_wait3A_333 = tpu.memref_slice %arg5[%dma_wait3A_323, %dma_wait3A_332] : memref<200x128xi32, #tpu.memory_space<vmem>> -> memref<1x128xi32, #tpu.memory_space<vmem>>
    %dma_wait3A_334 = tpu.memref_squeeze %dma_wait3A_333 : memref<1x128xi32, #tpu.memory_space<vmem>> -> memref<128xi32, #tpu.memory_space<vmem>>
    %dma_wait3A_335 = arith.constant 0 : i32
    %dma_wait3A_336 = arith.constant 0 : i32
    %dma_wait3A_337 = tpu.memref_slice %arg2[%dma_wait3A_335, %dma_wait3A_336] : memref<1000000x64xf32, #tpu.memory_space<hbm>> -> memref<1000000x64xf32, #tpu.memory_space<hbm>>
    tpu.wait_indirect_dma semaphore(%arg8 : memref<!tpu.dma_semaphore, #tpu.memory_space<semaphore_mem>>) src(%dma_wait3A_337 : memref<1000000x64xf32, #tpu.memory_space<hbm>>) dst(%dma_wait3A_331 : memref<128x64xf32, #tpu.memory_space<vmem>>)
    %add3A_338 = arith.constant 24960 : i32
    %add3A_339 = arith.addi %mul3A_4, %add3A_338 : i32
    %dma_start3A_340 = arith.constant 1 : i32
    %dma_start3A_341 = arith.constant 0 : i32
    %dma_start3A_342 = arith.constant 0 : i32
    %dma_start3A_343 = tpu.memref_slice %arg6[%dma_start3A_340, %dma_start3A_341, %dma_start3A_342] : memref<2x640x64xf32, #tpu.memory_space<vmem>> -> memref<1x640x64xf32, #tpu.memory_space<vmem>>
    %dma_start3A_344 = tpu.memref_squeeze %dma_start3A_343 : memref<1x640x64xf32, #tpu.memory_space<vmem>> -> memref<640x64xf32, #tpu.memory_space<vmem>>
    %dma_start3A_345 = arith.constant 0 : i32
    %dma_start3A_346 = tpu.memref_slice %arg4[%add3A_339, %dma_start3A_345] : memref<819200x64xf32, #tpu.memory_space<hbm>> -> memref<640x64xf32, #tpu.memory_space<hbm>>
    %dma_start3A_347 = arith.constant 0 : i32
    %dma_start3A_348 = tpu.memref_slice %arg4[%add3A_339, %dma_start3A_347] : memref<819200x64xf32, #tpu.memory_space<hbm>> -> memref<640x64xf32, #tpu.memory_space<hbm>>
    %dma_start3A_349 = arith.constant 0 : i32
    %dma_start3A_350 = arith.constant 0 : i32
    %dma_start3A_351 = tpu.memref_slice %arg6[%dma_start3A_340, %dma_start3A_349, %dma_start3A_350] : memref<2x640x64xf32, #tpu.memory_space<vmem>> -> memref<1x640x64xf32, #tpu.memory_space<vmem>>
    %dma_start3A_352 = tpu.memref_squeeze %dma_start3A_351 : memref<1x640x64xf32, #tpu.memory_space<vmem>> -> memref<640x64xf32, #tpu.memory_space<vmem>>
    tpu.enqueue_dma source(%dma_start3A_352 : memref<640x64xf32, #tpu.memory_space<vmem>>) target(%dma_start3A_348 : memref<640x64xf32, #tpu.memory_space<hbm>>) target_semaphore(%arg10 : memref<!tpu.dma_semaphore, #tpu.memory_space<semaphore_mem>>)
    %add3A_353 = arith.constant 24960 : i32
    %add3A_354 = arith.addi %mul3A_4, %add3A_353 : i32
    %dma_wait3A_355 = arith.constant 1 : i32
    %dma_wait3A_356 = arith.constant 0 : i32
    %dma_wait3A_357 = arith.constant 0 : i32
    %dma_wait3A_358 = tpu.memref_slice %arg6[%dma_wait3A_355, %dma_wait3A_356, %dma_wait3A_357] : memref<2x640x64xf32, #tpu.memory_space<vmem>> -> memref<1x640x64xf32, #tpu.memory_space<vmem>>
    %dma_wait3A_359 = tpu.memref_squeeze %dma_wait3A_358 : memref<1x640x64xf32, #tpu.memory_space<vmem>> -> memref<640x64xf32, #tpu.memory_space<vmem>>
    %dma_wait3A_360 = arith.constant 0 : i32
    %dma_wait3A_361 = tpu.memref_slice %arg4[%add3A_354, %dma_wait3A_360] : memref<819200x64xf32, #tpu.memory_space<hbm>> -> memref<640x64xf32, #tpu.memory_space<hbm>>
    %dma_wait3A_362 = arith.constant 0 : i32
    %dma_wait3A_363 = tpu.memref_slice %arg4[%add3A_354, %dma_wait3A_362] : memref<819200x64xf32, #tpu.memory_space<hbm>> -> memref<640x64xf32, #tpu.memory_space<hbm>>
    %dma_wait3A_364 = arith.constant 0 : i32
    %dma_wait3A_365 = arith.constant 0 : i32
    %dma_wait3A_366 = tpu.memref_slice %arg6[%dma_wait3A_355, %dma_wait3A_364, %dma_wait3A_365] : memref<2x640x64xf32, #tpu.memory_space<vmem>> -> memref<1x640x64xf32, #tpu.memory_space<vmem>>
    %dma_wait3A_367 = tpu.memref_squeeze %dma_wait3A_366 : memref<1x640x64xf32, #tpu.memory_space<vmem>> -> memref<640x64xf32, #tpu.memory_space<vmem>>
    tpu.wait_dma2 semaphore(%arg10 : memref<!tpu.dma_semaphore, #tpu.memory_space<semaphore_mem>>) src(%dma_wait3A_367 : memref<640x64xf32, #tpu.memory_space<vmem>>) dst(%dma_wait3A_363 : memref<640x64xf32, #tpu.memory_space<hbm>>)
    return
  }
}

</mosaic_0001>

<sc_bundles>
// kernel: kernel.3.cloned.1.call-start
scs
__scs_entry_jumppad:
0x0: {  	(pc) =	sbr.rel $0x88, $3  }
0x1: {  	(tag) =	ssettag $0x0;
	lr =	simm.s32 $0x1  }
0x2: {  	[smem:$0x3F9F] =	sst lr;
	_ =	strace $0xD0000000  }
0x3: {  	_ = 	snop  }
0x4: {  	_ = 	snop  }
0x5: {  	_ = 	snop  }
0x6: {  	_ = 	snop  }
0x7: {  	_ = 	snop  }
__scs_overlays_trampoline_lowered:
0x8: {  	[smem:$0x3FAE] =	sst s0  }
0x9: {  	[smem:$0x3FAF] =	sst s1  }
0xa: {  	[smem:$0x3FB0] =	sst s2  }
0xb: {  	[smem:$0x3FB1] =	sst s3  }
0xc: {  	[smem:$0x3FB2] =	sst s4  }
0xd: {  	[smem:$0x3FB3] =	sst s5  }
0xe: {  	[smem:$0x3FB4] =	sst s6  }
0xf: {  	[smem:$0x3FB5] =	sst s7  }
0x10: {  	[smem:$0x3FB6] =	sst s8  }
0x11: {  	[smem:$0x3FB7] =	sst s9;
	s0 =	simm.s32 @!p0 $0x0  }
0x12: {  	s1 =	sld [smem:$0x3F9D];
	s0 =	simm.s32 @p0 $0x1  }
0x13: {  	[smem:$0x3FB8] =	sst s0;
	s0 =	simm.s32 @!p1 $0x0  }
0x14: {  	s2 =	sld [smem:$0x3F9C];
	s0 =	simm.s32 @p1 $0x1  }
0x15: {  	[smem:$0x3FB9] =	sst s0;
	s0 =	simm.s32 @!p2 $0x0  }
0x16: {  	s3 =	sld [smem:$0x3FDB];
	s0 =	simm.s32 @p2 $0x1  }
0x17: {  	s4 =	simm.s32 $0x1BF5;
	[smem:$0x3FBB] =	sst s0  }
0x18: {  	s0 =	sld [smem:$0x3F9E];
	_ =	swait.ge [sflag:s4], $0x0  }
0x19: {  	s7 =	sld [smem:$0x3F9F]  }
0x1a: {  	s8 =	sadd.s32 $0xFFFFE003, lr  }
0x1b: {  	s9 =	sadd.s32 $0xFFFFFEF7, lr;
	s5 =	simm.s32 $0xFFFFFFFF;
	p2 =	slt.u32 s8, $0xFFFFF086  }
0x1c: {  	p1 =	slt.u32 s9, $0xF7A;
	s5 =	simm.s32 @!p2 $0x0  }
0x1d: {  	s5 =	simm.s32 @p1 $0x1;
	p0 =	seq.s32 s7, s2  }
0x1e: {  	s7 =	smul.u32 @!p0 $0xF7A, s2;
	p2 =	seq.s32 @!p0 s5, $0x0  }
0x1f: {  	s9 =	smul.u32 $0xF7A, s1;
	s8 =	simm.s32 @!p0 $0x1BF5;
	p2 =	por !p2, p0  }
0x20: {  	[sflag:s8] =	ssyncset.s32 @!p0 $0xFFFFF086;
	s6 =	sadd.s32 @!p0 s3, s7;
	s7 =	simm.s32 @!p0 $0x108  }
0x21: {  	s3 =	sadd.s32 s3, s9;
	s6 =	sadd.s32 @!p0 $0x88, s6;
	s7 =	simm.s32 @p2 $0x1082  }
0x22: {  	[simem:s7], [sflag:s8] =	dma.local @!p0 [hbm:s6], $0xF7A  }
0x23: {  	s9 =	sor.u32 $0xD0000000, s2;
	s6 =	simm.s32 $0x108;
	_ =	swait.ge @!p0 [sflag:s8], $0x0  }
0x24: {  	s3 =	sadd.s32 $0x88, s3;
	s6 =	simm.s32 @!p1 $0x1082;
	[sflag:s4] =	ssyncset.s32 $0xFFFFF086  }
0x25: {  	[simem:s6], [sflag:s4] =	dma.local [hbm:s3], $0xF7A  }
0x26: {  	[smem:$0x3F9F] =	sst s1;
	(tag) =	ssettag s2;
	_ =	strace s9  }
0x27: {  	s1 =	sld [smem:$0x3FAF]  }
0x28: {  	s2 =	sld [smem:$0x3FB0]  }
0x29: {  	s4 =	sld [smem:$0x3FB2]  }
0x2a: {  	p0 =	seq.s32 s5, $0x0;
	s5 =	sld [smem:$0x3FB3]  }
0x2b: {  	s6 =	sld [smem:$0x3FB4]  }
0x2c: {  	s7 =	sld [smem:$0x3FB5]  }
0x2d: {  	s3 =	simm.s32 $0x108;
	s8 =	sld [smem:$0x3FB6]  }
0x2e: {  	s3 =	simm.s32 @!p0 $0x1082;
	s9 =	sld [smem:$0x3FB7]  }
0x2f: {  	lr =	sadd.s32 s0, s3;
	s0 =	sld [smem:$0x3FAE]  }
0x30: {  	s3 =	sld [smem:$0x3FB1]  }
0x31: {  	[smem:$0x3FBA] =	sst s10  }
0x32: {  	s10 =	sld [smem:$0x3FB8];
	_ =	sdelay $0x3  }
0x33: {  	p0 =	seq.s32 s10, $0x1;
	s10 =	sld [smem:$0x3FBA];
	_ =	sdelay $0x3  }
0x34: {  	[smem:$0x3FBA] =	sst s10  }
0x35: {  	s10 =	sld [smem:$0x3FB9];
	_ =	sdelay $0x3  }
0x36: {  	p1 =	seq.s32 s10, $0x1;
	s10 =	sld [smem:$0x3FBA];
	_ =	sdelay $0x3  }
0x37: {  	[smem:$0x3FBA] =	sst s10  }
0x38: {  	s10 =	sld [smem:$0x3FBB]  }
0x39: {  	_ = 	snop;
	(pc) =	sbr.ind lr, $3  }
0x3a: {  	_ = 	snop  }
0x3b: {  	_ = 	snop  }
0x3c: {  	p2 =	seq.s32 s10, $0x1;
	s10 =	sld [smem:$0x3FBA]  }
0x3d: {  	_ =	shalt  }
0x3e: {  	_ =	shalt  }
0x3f: {  	_ =	shalt  }
0x40: {  	_ =	shalt  }
0x41: {  	_ =	shalt  }
0x42: {  	_ =	shalt  }
0x43: {  	_ =	shalt  }
0x44: {  	_ =	shalt  }
0x45: {  	_ =	shalt  }
0x46: {  	_ =	shalt  }
0x47: {  	_ =	shalt  }
0x48: {  	_ =	shalt  }
0x49: {  	_ =	shalt  }
0x4a: {  	_ =	shalt  }
0x4b: {  	_ =	shalt  }
0x4c: {  	_ =	shalt  }
0x4d: {  	_ =	shalt  }
0x4e: {  	_ =	shalt  }
0x4f: {  	_ =	shalt  }
0x50: {  	_ =	shalt  }
0x51: {  	_ =	shalt  }
0x52: {  	_ =	shalt  }
0x53: {  	_ =	shalt  }
0x54: {  	_ =	shalt  }
0x55: {  	_ =	shalt  }
0x56: {  	_ =	shalt  }
0x57: {  	_ =	shalt  }
0x58: {  	_ =	shalt  }
0x59: {  	_ =	shalt  }
0x5a: {  	_ =	shalt  }
0x5b: {  	_ =	shalt  }
0x5c: {  	_ =	shalt  }
0x5d: {  	_ =	shalt  }
0x5e: {  	_ =	shalt  }
0x5f: {  	_ =	shalt  }
0x60: {  	_ =	shalt  }
0x61: {  	_ =	shalt  }
0x62: {  	_ =	shalt  }
0x63: {  	_ =	shalt  }
0x64: {  	_ =	shalt  }
0x65: {  	_ =	shalt  }
0x66: {  	_ =	shalt  }
0x67: {  	_ =	shalt  }
0x68: {  	_ =	shalt  }
0x69: {  	_ =	shalt  }
0x6a: {  	_ =	shalt  }
0x6b: {  	_ =	shalt  }
0x6c: {  	_ =	shalt  }
0x6d: {  	_ =	shalt  }
0x6e: {  	_ =	shalt  }
0x6f: {  	_ =	shalt  }
0x70: {  	_ =	shalt  }
0x71: {  	_ =	shalt  }
0x72: {  	_ =	shalt  }
0x73: {  	_ =	shalt  }
0x74: {  	_ =	shalt  }
0x75: {  	_ =	shalt  }
0x76: {  	_ =	shalt  }
0x77: {  	_ =	shalt  }
0x78: {  	_ =	shalt  }
0x79: {  	_ =	shalt  }
0x7a: {  	_ =	shalt  }
0x7b: {  	_ =	shalt  }
0x7c: {  	_ =	shalt  }
0x7d: {  	_ =	shalt  }
0x7e: {  	_ =	shalt  }
0x7f: {  	_ =	shalt  }
0x80: {  	_ =	shalt  }
0x81: {  	_ =	shalt  }
0x82: {  	_ =	shalt  }
0x83: {  	_ =	shalt  }
0x84: {  	_ =	shalt  }
0x85: {  	_ =	shalt  }
0x86: {  	_ =	shalt  }
0x87: {  	_ =	shalt  }
.Lfunc_end0:
.L_simem_size_0:
called_computation.1_lowered:
.L_overlay_start_0:
0x88: {  	s2 =	sld [smem:$0x3FD9]  }
0x89: {  	s3 =	sld [smem:$0x3FFE];
	_ =	sdelay $0x1  }
0x8a: {  	s1 =	srdreg.scid  }
0x8b: {  	s0 =	sand.u32 $0x1, s1  }
0x8c: {  	s17 =	sshll.u32 s0, $0xA;
	s2 =	sadd.s32 s3, s2  }
0x8d: {  	s2 =	sadd.s32 s2, s17  }
0x8e: {  	[smem:$0x3FC6] =	sst s2  }
0x8f: {  	_ = 	snop  }
0x90: {  	s2 =	sld [smem:$0x3FD0];
	(tm) =	ssettm $0x1  }
0x91: {  	s18 =	sld [smem:$0x3FFB];
	_ =	sdelay $0x3  }
0x92: {  	_ =	strace s18  }
0x93: {  	s3 =	sld [smem:$0x3FFC];
	_ =	sdelay $0x3  }
0x94: {  	_ =	strace s3  }
0x95: {  	s3 =	sld [smem:$0x3FFD];
	_ =	sdelay $0x3  }
0x96: {  	_ =	strace s3  }
0x97: {  	_ =	strace $0x8FFFFFFF  }
0x98: {  	s19 =	sld [smem:$0x3FDB];
	_ =	sdelay $0x1  }
0x99: {  	s4 =	simm.s32 $_scs_section_size  }
0x9a: {  	s5 =	simm.s32 $_size__tile_overlayer_lowered;
	s6 =	simm.s32 $_tile_overlayer_lowered  }
0x9b: {  	s22 =	simm.s32 $0x1BFF;
	s21 =	sshll.u32 s6, $0x1;
	s3 =	sadd.s32 s4, s19  }
0x9c: {  	s7 =	simm.s32 $0x0;
	s20 =	sshll.u32 s5, $0x1;
	s5 =	sadd.s32 s21, s3  }
0x9d: {  	[timem:s7], [sflag:s22] =	dma.local [hbm:s5], s20  }
0x9e: {  	_ =	swait.ge [sflag:s22], s20  }
0x9f: {  	s4 =	ssub.s32 $0x0, s20;
	[sflag:s22] =	ssyncset.done $0x0  }
0xa0: {  	[sflag:s22] =	ssyncadd.s32 s4;
	_ =	sdelay $0x1  }
0xa1: {  	s23 =	simm.s32 $0x1B8B  }
0xa2: {  	_ =	swait.ge [sflag:s23], $0x1  }
0xa3: {  	[sflag:s23] =	ssyncset.done $0x0  }
0xa4: {  	s25 =	simm.s32 $0x1B8E;
	s24 =	sld [smem:$0x3FFE];
	[sflag:s23] =	ssyncadd.s32 $0xFFFFFFFF  }
0xa5: {  	s26 =	simm.s32 $execute0_lowered;
	[smem:$0x3FD2] =	sst s25  }
0xa6: {  	s5 =	sshll.u32 s26, $0x1;
	_ =	strace $0x80000046;
	[dreg:$0x1] =	wrdreg $0xFFFFFFFF  }
0xa7: {  	s28 =	simm.s32 $_size_execute0_lowered;
	s3 =	sadd.s32 s3, s5;
	[dreg:$0x0] =	wrdreg $0x0  }
0xa8: {  	s5 =	sshll.u32 s28, $0x1;
	[dreg:$0x2] =	wrdreg s3  }
0xa9: {  	[dreg:$0x3] =	wrdreg s5  }
0xaa: {  	[dreg:$0x4] =	wrdreg $0xC0  }
0xab: {  	_ =	task [dreg:s7], $0x5FFFF  }
0xac: {  	[dreg:$0x1] =	wrdreg $0xFFFFFFFF  }
0xad: {  	[dreg:$0x0] =	wrdreg $0x60  }
0xae: {  	[dreg:$0x2] =	wrdreg s24  }
0xaf: {  	[dreg:$0x3] =	wrdreg s2  }
0xb0: {  	[dreg:$0x4] =	wrdreg $0x9  }
0xb1: {  	_ =	task.clear_ibuf [dreg:s7], $0x5FFFF;
	_ =	strace $0x90000046  }
0xb2: {  	s29 =	simm.s32 $0x9;
	_ =	strace $0x80000048  }
0xb3: {  	_ =	swait.ge [sflag:s29], $0x1  }
0xb4: {  	[sflag:s29] =	ssyncadd.s32 $0xFFFFFFFF  }
0xb5: {  	_ =	strace $0x90000048  }
0xb6: {  	_ =	sfence  }
0xb7: {  	s30 =	sld [smem:$0x0];
	_ =	sdelay $0x2  }
0xb8: {  	s31 =	sshll.u32 s1, $0xD;
	s1 =	sshrl.u32 s1, $0x2  }
0xb9: {  	s3 =	sand.u32 $0x4000, s31;
	s1 =	sadd.s32 s1, s30  }
0xba: {  	s0 =	sor.u32 s3, s0;
	s1 =	sshll.u32 s1, $0x11  }
0xbb: {  	s0 =	sor.u32 s1, s0  }
0xbc: {  	s0 =	sadd.s32 $0x8F2B, s0  }
0xbd: {  	[sflag:s0] =	ssyncadd.remote.s32 $0x1  }
0xbe: {  	_ =	sfence.sel $0xFFFF  }
0xbf: {  	[dreg:$0x0] =	wrdreg $0xFFFFFFFF;
	(pc) =	sbr.abs _section_cstart, $3  }
0xc0: {  	[dreg:$0x1] =	wrdreg $0xFFFFFFFF  }
0xc1: {  	_ =	task.clear_ibuf [dreg:s7], $0x2FFFF;
	_ =	strace $0x9FFFFFFF  }
0xc2: {  	(tm) =	ssettm $0x7FFFFFFF  }
0xc3: {  	_ =	shalt  }
tec
execute0_lowered:
.L_overlay_start_1:
0x0: {  	(tag) =	ssettag $0x1  }
0x1: {  	s0 =	rddreg [dreg:$0x0]  }
0x2: {  	s1 =	rddreg [dreg:$0x1];
	s3 =	srdreg.scid  }
0x3: {  	s11 =	stileid.u32;
	s2 =	simm.s32 $0x0;
	s12 =	simm.s32 $0x6400  }
0x4: {  	s13 =	simm.s32 $0x8400;
	s15 =	simm.s32 $0xA400;
	s17 =	simm.s32 $0xC400  }
0x5: {  	s19 =	simm.s32 $0xE400;
	s28 =	simm.s32 $0x16400;
	s29 =	simm.s32 $0x480  }
0x6: {  	s30 =	simm.s32 $0x18400;
	s31 =	simm.s32 $0x1;
	s14 =	simm.s32 $0x4  }
0x7: {  	s16 =	simm.s32 $0x0;
	s7 =	sand.u32 $0x1, s3;
	s6 =	smul.u32 $0xC800, s11  }
0x8: {  	s20 =	sshll.u32 s11, $0x1;
	[smem:$0x7FF] =	sst s2;
	s24 =	smul.u32 $0x64000, s11  }
0x9: {  	s3 =	sadd.s32 $0xF42E00, s0;
	s11 =	simm.s32 $0x80;
	s10 =	smul.u32 $0x6400, s7  }
0xa: {  	s4 =	sor.u32 s7, s20;
	s21 =	ssub.s32 $0x2, s7;
	s26 =	smul.u32 $0x32000, s7  }
0xb: {  	_ =	strace $0x80000047;
	s5 =	smul.u32 $0xC80, s4;
	s8 =	sshrl.u32 s21, $0x1  }
0xc: {  	s4 =	smul.u32 $0x190000, s4;
	s8 =	ssub.s32 s21, s8;
	s23 =	sadd.s32 s10, s6  }
0xd: {  	s10 =	simm.s32 $0x5;
	s21 =	simm.s32 $0x10400;
	s0 =	sadd.s32 s5, s0  }
0xe: {  	s9 =	sshrl.u32 s4, $0x3;
	s25 =	sshll.u32 s23, $0x3;
	s7 =	smax.u32 s8, $0x1  }
0xf: {  	s23 =	simm.s32 $0x12400;
	s4 =	sadd.s32 $0xA00, s0;
	s22 =	sadd.s32 s1, s9  }
0x10: {  	s0 =	sadd.s32 s25, s1;
	s1 =	sadd.s32 s24, s1;
	s25 =	simm.s32 $0x14400  }
0x11: {  	s5 =	sadd.s32 $0x2F800, s22;
	s6 =	sadd.s32 $0x30C00, s22;
	s8 =	sadd.s32 $0x1400, s0  }
0x12: {  	s9 =	sadd.s32 s26, s1;
	s0 =	simm.s32 $0x3;
	s1 =	simm.s32 $0x2  }
.LBB2_1:
0x13: {  	[tilespmem:s2], [sflag:$0x5] =	stream.linear.gather [hbm4b:s4+s2], $0x6400, $0x38;
	[tilespmem:$0x1A400] =	vst v63  }
0x14: {  	_ =	swait.ge [sflag:s10], $0x6400  }
0x15: {  	[sflag:s10] =	ssyncset.done $0x0  }
0x16: {  	[sflag:s10] =	ssyncadd.s32 $0xFFFF9C00  }
0x17: {  	[tilespmem:s12], [sflag:$0x1] =	stream.indirect.gather [hbm4b:s3+s11], $0x40, s2, s11, $0xb8;
	[tilespmem:$0x1A400] =	vst v63  }
0x18: {  	_ = 	snop  }
0x19: {  	[tilespmem:s13], [sflag:$0x1] =	stream.indirect.gather [hbm4b:s3+s11], $0x40, s11, s11, $0xb8;
	[tilespmem:$0x1A400] =	vst v63  }
0x1a: {  	s18 =	simm.s32 $0x100  }
0x1b: {  	[tilespmem:s15], [sflag:$0x1] =	stream.indirect.gather [hbm4b:s3+s11], $0x40, s18, s11, $0xb8;
	[tilespmem:$0x1A400] =	vst v63  }
0x1c: {  	s22 =	simm.s32 $0x180  }
0x1d: {  	[tilespmem:s17], [sflag:$0x1] =	stream.indirect.gather [hbm4b:s3+s11], $0x40, s22, s11, $0xb8;
	[tilespmem:$0x1A400] =	vst v63  }
0x1e: {  	s24 =	simm.s32 $0x200  }
0x1f: {  	[tilespmem:s19], [sflag:$0x1] =	stream.indirect.gather [hbm4b:s3+s11], $0x40, s24, s11, $0xb8;
	[tilespmem:$0x1A400] =	vst v63  }
0x20: {  	s26 =	simm.s32 $0x280  }
0x21: {  	[tilespmem:s21], [sflag:$0x2] =	stream.indirect.gather [hbm4b:s3+s11], $0x40, s26, s11, $0xb8;
	[tilespmem:$0x1A400] =	vst v63  }
0x22: {  	s20 =	simm.s32 $0x300  }
0x23: {  	[tilespmem:s23], [sflag:$0x2] =	stream.indirect.gather [hbm4b:s3+s11], $0x40, s20, s11, $0xb8;
	[tilespmem:$0x1A400] =	vst v63  }
0x24: {  	s22 =	simm.s32 $0x380  }
0x25: {  	[tilespmem:s25], [sflag:$0x2] =	stream.indirect.gather [hbm4b:s3+s11], $0x40, s22, s11, $0xb8;
	[tilespmem:$0x1A400] =	vst v63  }
0x26: {  	s24 =	simm.s32 $0x400  }
0x27: {  	[tilespmem:s28], [sflag:$0x2] =	stream.indirect.gather [hbm4b:s3+s11], $0x40, s24, s11, $0xb8;
	[tilespmem:$0x1A400] =	vst v63  }
0x28: {  	_ = 	snop  }
0x29: {  	[tilespmem:s30], [sflag:$0x2] =	stream.indirect.gather [hbm4b:s3+s11], $0x40, s29, s11, $0xb8;
	[tilespmem:$0x1A400] =	vst v63  }
0x2a: {  	_ =	swait.ge [sflag:s31], $0x2000  }
0x2b: {  	[sflag:s31] =	ssyncset.done $0x0  }
0x2c: {  	[sflag:s31] =	ssyncadd.s32 $0xFFFFE000  }
0x2d: {  	_ =	swait.ge [sflag:s31], $0x2000  }
0x2e: {  	[sflag:s31] =	ssyncset.done $0x0  }
0x2f: {  	[sflag:s31] =	ssyncadd.s32 $0xFFFFE000  }
0x30: {  	_ =	swait.ge [sflag:s31], $0x2000  }
0x31: {  	[sflag:s31] =	ssyncset.done $0x0  }
0x32: {  	[sflag:s31] =	ssyncadd.s32 $0xFFFFE000  }
0x33: {  	_ =	swait.ge [sflag:s31], $0x2000  }
0x34: {  	[sflag:s31] =	ssyncset.done $0x0  }
0x35: {  	[sflag:s31] =	ssyncadd.s32 $0xFFFFE000  }
0x36: {  	_ =	swait.ge [sflag:s31], $0x2000  }
0x37: {  	[sflag:s31] =	ssyncset.done $0x0  }
0x38: {  	[sflag:s31] =	ssyncadd.s32 $0xFFFFE000  }
0x39: {  	[hbm4b:s9+s2] =	stream.linear.scatter [tilespmem:s12], [sflag:$0x3], $0xA000, $0x38;
	[tilespmem:$0x1A400] =	vst v63  }
0x3a: {  	_ =	swait.ge [sflag:s0], $0xA000  }
0x3b: {  	[sflag:s0] =	ssyncset.done $0x0  }
0x3c: {  	s26 =	simm.s32 $0x500;
	[sflag:s0] =	ssyncadd.s32 $0xFFFF6000  }
0x3d: {  	[tilespmem:s12], [sflag:$0x1] =	stream.indirect.gather [hbm4b:s3+s11], $0x40, s26, s11, $0xb8;
	[tilespmem:$0x1A400] =	vst v63  }
0x3e: {  	s20 =	simm.s32 $0x580  }
0x3f: {  	[tilespmem:s13], [sflag:$0x1] =	stream.indirect.gather [hbm4b:s3+s11], $0x40, s20, s11, $0xb8;
	[tilespmem:$0x1A400] =	vst v63  }
0x40: {  	s22 =	simm.s32 $0x600  }
0x41: {  	[tilespmem:s15], [sflag:$0x1] =	stream.indirect.gather [hbm4b:s3+s11], $0x40, s22, s11, $0xb8;
	[tilespmem:$0x1A400] =	vst v63  }
0x42: {  	s24 =	simm.s32 $0x680  }
0x43: {  	[tilespmem:s17], [sflag:$0x1] =	stream.indirect.gather [hbm4b:s3+s11], $0x40, s24, s11, $0xb8;
	[tilespmem:$0x1A400] =	vst v63  }
0x44: {  	s26 =	simm.s32 $0x700  }
0x45: {  	[tilespmem:s19], [sflag:$0x1] =	stream.indirect.gather [hbm4b:s3+s11], $0x40, s26, s11, $0xb8;
	[tilespmem:$0x1A400] =	vst v63  }
0x46: {  	_ =	swait.ge [sflag:s1], $0x2000  }
0x47: {  	[sflag:s1] =	ssyncset.done $0x0  }
0x48: {  	[sflag:s1] =	ssyncadd.s32 $0xFFFFE000  }
0x49: {  	_ =	swait.ge [sflag:s1], $0x2000  }
0x4a: {  	[sflag:s1] =	ssyncset.done $0x0  }
0x4b: {  	[sflag:s1] =	ssyncadd.s32 $0xFFFFE000  }
0x4c: {  	_ =	swait.ge [sflag:s1], $0x2000  }
0x4d: {  	[sflag:s1] =	ssyncset.done $0x0  }
0x4e: {  	[sflag:s1] =	ssyncadd.s32 $0xFFFFE000  }
0x4f: {  	_ =	swait.ge [sflag:s1], $0x2000  }
0x50: {  	[sflag:s1] =	ssyncset.done $0x0  }
0x51: {  	[sflag:s1] =	ssyncadd.s32 $0xFFFFE000  }
0x52: {  	_ =	swait.ge [sflag:s1], $0x2000  }
0x53: {  	[sflag:s1] =	ssyncset.done $0x0  }
0x54: {  	[sflag:s1] =	ssyncadd.s32 $0xFFFFE000  }
0x55: {  	[hbm4b:s8+s2] =	stream.linear.scatter [tilespmem:s21], [sflag:$0x4], $0xA000, $0x38;
	[tilespmem:$0x1A400] =	vst v63  }
0x56: {  	_ =	swait.ge [sflag:s14], $0xA000  }
0x57: {  	[sflag:s14] =	ssyncset.done $0x0  }
0x58: {  	s20 =	simm.s32 $0x780;
	[sflag:s14] =	ssyncadd.s32 $0xFFFF6000  }
0x59: {  	[tilespmem:s21], [sflag:$0x2] =	stream.indirect.gather [hbm4b:s3+s11], $0x40, s20, s11, $0xb8;
	[tilespmem:$0x1A400] =	vst v63  }
0x5a: {  	s22 =	simm.s32 $0x800  }
0x5b: {  	[tilespmem:s23], [sflag:$0x2] =	stream.indirect.gather [hbm4b:s3+s11], $0x40, s22, s11, $0xb8;
	[tilespmem:$0x1A400] =	vst v63  }
0x5c: {  	s18 =	simm.s32 $0x1400;
	s24 =	simm.s32 $0x880;
	s26 =	simm.s32 $0x900  }
0x5d: {  	[tilespmem:s25], [sflag:$0x2] =	stream.indirect.gather [hbm4b:s3+s11], $0x40, s24, s11, $0xb8;
	[tilespmem:$0x1A400] =	vst v63  }
0x5e: {  	s20 =	sadd.s32 $0x2800, s8;
	s22 =	sadd.s32 $0x2800, s9;
	s24 =	simm.s32 $0x980  }
0x5f: {  	[tilespmem:s28], [sflag:$0x2] =	stream.indirect.gather [hbm4b:s3+s11], $0x40, s26, s11, $0xb8;
	[tilespmem:$0x1A400] =	vst v63  }
.LBB2_2:
0x60: {  	[tilespmem:s30], [sflag:$0x2] =	stream.indirect.gather [hbm4b:s3+s11], $0x40, s24, s11, $0xb8;
	[tilespmem:$0x1A400] =	vst v63  }
0x61: {  	s24 =	smov.u32 s18  }
0x62: {  	p0 =	sne.s32 s18, $0x16800;
	s18 =	sadd.s32 $0x1400, s18;
	_ =	swait.ge [sflag:s31], $0x2000  }
0x63: {  	[sflag:s31] =	ssyncset.done $0x0  }
0x64: {  	[sflag:s31] =	ssyncadd.s32 $0xFFFFE000  }
0x65: {  	_ =	swait.ge [sflag:s31], $0x2000  }
0x66: {  	[sflag:s31] =	ssyncset.done $0x0  }
0x67: {  	[sflag:s31] =	ssyncadd.s32 $0xFFFFE000  }
0x68: {  	_ =	swait.ge [sflag:s31], $0x2000  }
0x69: {  	[sflag:s31] =	ssyncset.done $0x0  }
0x6a: {  	[sflag:s31] =	ssyncadd.s32 $0xFFFFE000  }
0x6b: {  	_ =	swait.ge [sflag:s31], $0x2000  }
0x6c: {  	[sflag:s31] =	ssyncset.done $0x0  }
0x6d: {  	[sflag:s31] =	ssyncadd.s32 $0xFFFFE000  }
0x6e: {  	_ =	swait.ge [sflag:s31], $0x2000  }
0x6f: {  	[sflag:s31] =	ssyncset.done $0x0  }
0x70: {  	[sflag:s31] =	ssyncadd.s32 $0xFFFFE000  }
0x71: {  	[hbm4b:s22+s2] =	stream.linear.scatter [tilespmem:s12], [sflag:$0x3], $0xA000, $0x38;
	[tilespmem:$0x1A400] =	vst v63  }
0x72: {  	_ =	swait.ge [sflag:s0], $0xA000  }
0x73: {  	s24 =	sshra.s32 s24, $0x2;
	[sflag:s0] =	ssyncset.done $0x0  }
0x74: {  	s26 =	sadd.s32 $0x500, s24;
	[sflag:s0] =	ssyncadd.s32 $0xFFFF6000  }
0x75: {  	[tilespmem:s12], [sflag:$0x1] =	stream.indirect.gather [hbm4b:s3+s11], $0x40, s26, s11, $0xb8;
	[tilespmem:$0x1A400] =	vst v63  }
0x76: {  	s26 =	sadd.s32 $0x580, s24  }
0x77: {  	[tilespmem:s13], [sflag:$0x1] =	stream.indirect.gather [hbm4b:s3+s11], $0x40, s26, s11, $0xb8;
	[tilespmem:$0x1A400] =	vst v63  }
0x78: {  	s26 =	sadd.s32 $0x600, s24  }
0x79: {  	[tilespmem:s15], [sflag:$0x1] =	stream.indirect.gather [hbm4b:s3+s11], $0x40, s26, s11, $0xb8;
	[tilespmem:$0x1A400] =	vst v63  }
0x7a: {  	s26 =	sadd.s32 $0x680, s24  }
0x7b: {  	[tilespmem:s17], [sflag:$0x1] =	stream.indirect.gather [hbm4b:s3+s11], $0x40, s26, s11, $0xb8;
	[tilespmem:$0x1A400] =	vst v63  }
0x7c: {  	s26 =	sadd.s32 $0x700, s24  }
0x7d: {  	[tilespmem:s19], [sflag:$0x1] =	stream.indirect.gather [hbm4b:s3+s11], $0x40, s26, s11, $0xb8;
	[tilespmem:$0x1A400] =	vst v63  }
0x7e: {  	_ =	swait.ge [sflag:s1], $0x2000  }
0x7f: {  	[sflag:s1] =	ssyncset.done $0x0  }
0x80: {  	[sflag:s1] =	ssyncadd.s32 $0xFFFFE000  }
0x81: {  	_ =	swait.ge [sflag:s1], $0x2000  }
0x82: {  	[sflag:s1] =	ssyncset.done $0x0  }
0x83: {  	[sflag:s1] =	ssyncadd.s32 $0xFFFFE000  }
0x84: {  	_ =	swait.ge [sflag:s1], $0x2000  }
0x85: {  	[sflag:s1] =	ssyncset.done $0x0  }
0x86: {  	[sflag:s1] =	ssyncadd.s32 $0xFFFFE000  }
0x87: {  	_ =	swait.ge [sflag:s1], $0x2000  }
0x88: {  	[sflag:s1] =	ssyncset.done $0x0  }
0x89: {  	[sflag:s1] =	ssyncadd.s32 $0xFFFFE000  }
0x8a: {  	_ =	swait.ge [sflag:s1], $0x2000  }
0x8b: {  	[sflag:s1] =	ssyncset.done $0x0  }
0x8c: {  	[sflag:s1] =	ssyncadd.s32 $0xFFFFE000  }
0x8d: {  	[hbm4b:s20+s2] =	stream.linear.scatter [tilespmem:s21], [sflag:$0x4], $0xA000, $0x38;
	[tilespmem:$0x1A400] =	vst v63  }
0x8e: {  	_ =	swait.ge [sflag:s14], $0xA000  }
0x8f: {  	[sflag:s14] =	ssyncset.done $0x0  }
0x90: {  	s26 =	sadd.s32 $0x780, s24;
	[sflag:s14] =	ssyncadd.s32 $0xFFFF6000  }
0x91: {  	[tilespmem:s21], [sflag:$0x2] =	stream.indirect.gather [hbm4b:s3+s11], $0x40, s26, s11, $0xb8;
	[tilespmem:$0x1A400] =	vst v63  }
0x92: {  	s26 =	sadd.s32 $0x800, s24  }
0x93: {  	[tilespmem:s23], [sflag:$0x2] =	stream.indirect.gather [hbm4b:s3+s11], $0x40, s26, s11, $0xb8;
	[tilespmem:$0x1A400] =	vst v63  }
.Ltmp0:
0x94: {  	s26 =	sadd.s32 $0x880, s24;
	(pc) =	sbr.rel @p0 .LBB2_2-.Ltmp0, $4  }
0x95: {  	[tilespmem:s25], [sflag:$0x2] =	stream.indirect.gather [hbm4b:s3+s11], $0x40, s26, s11, $0xb8;
	[tilespmem:$0x1A400] =	vst v63  }
0x96: {  	s26 =	sadd.s32 $0x900, s24  }
0x97: {  	[tilespmem:s28], [sflag:$0x2] =	stream.indirect.gather [hbm4b:s3+s11], $0x40, s26, s11, $0xb8;
	[tilespmem:$0x1A400] =	vst v63  }
0x98: {  	s22 =	sadd.s32 $0x2800, s22;
	s20 =	sadd.s32 $0x2800, s20;
	s24 =	sadd.s32 $0x980, s24  }
0x99: {  	[tilespmem:s30], [sflag:$0x2] =	stream.indirect.gather [hbm4b:s3+s11], $0x40, s24, s11, $0xb8;
	[tilespmem:$0x1A400] =	vst v63  }
0x9a: {  	_ =	swait.ge [sflag:s31], $0x2000  }
0x9b: {  	[sflag:s31] =	ssyncset.done $0x0  }
0x9c: {  	[sflag:s31] =	ssyncadd.s32 $0xFFFFE000  }
0x9d: {  	_ =	swait.ge [sflag:s31], $0x2000  }
0x9e: {  	[sflag:s31] =	ssyncset.done $0x0  }
0x9f: {  	[sflag:s31] =	ssyncadd.s32 $0xFFFFE000  }
0xa0: {  	_ =	swait.ge [sflag:s31], $0x2000  }
0xa1: {  	[sflag:s31] =	ssyncset.done $0x0  }
0xa2: {  	[sflag:s31] =	ssyncadd.s32 $0xFFFFE000  }
0xa3: {  	_ =	swait.ge [sflag:s31], $0x2000  }
0xa4: {  	[sflag:s31] =	ssyncset.done $0x0  }
0xa5: {  	[sflag:s31] =	ssyncadd.s32 $0xFFFFE000  }
0xa6: {  	_ =	swait.ge [sflag:s31], $0x2000  }
0xa7: {  	[sflag:s31] =	ssyncset.done $0x0  }
0xa8: {  	[sflag:s31] =	ssyncadd.s32 $0xFFFFE000  }
0xa9: {  	[hbm4b:s5+s2] =	stream.linear.scatter [tilespmem:s12], [sflag:$0x3], $0xA000, $0x38;
	[tilespmem:$0x1A400] =	vst v63  }
0xaa: {  	_ =	swait.ge [sflag:s0], $0xA000  }
0xab: {  	[sflag:s0] =	ssyncset.done $0x0  }
0xac: {  	[sflag:s0] =	ssyncadd.s32 $0xFFFF6000  }
0xad: {  	_ =	swait.ge [sflag:s1], $0x2000  }
0xae: {  	[sflag:s1] =	ssyncset.done $0x0  }
0xaf: {  	[sflag:s1] =	ssyncadd.s32 $0xFFFFE000  }
0xb0: {  	_ =	swait.ge [sflag:s1], $0x2000  }
0xb1: {  	[sflag:s1] =	ssyncset.done $0x0  }
0xb2: {  	[sflag:s1] =	ssyncadd.s32 $0xFFFFE000  }
0xb3: {  	_ =	swait.ge [sflag:s1], $0x2000  }
0xb4: {  	[sflag:s1] =	ssyncset.done $0x0  }
0xb5: {  	[sflag:s1] =	ssyncadd.s32 $0xFFFFE000  }
0xb6: {  	_ =	swait.ge [sflag:s1], $0x2000  }
0xb7: {  	[sflag:s1] =	ssyncset.done $0x0  }
0xb8: {  	[sflag:s1] =	ssyncadd.s32 $0xFFFFE000  }
0xb9: {  	s16 =	sadd.s32 $0x1, s16;
	_ =	swait.ge [sflag:s1], $0x2000  }
0xba: {  	p0 =	sne.s32 s16, s7;
	[sflag:s1] =	ssyncset.done $0x0  }
.Ltmp1:
0xbb: {  	[sflag:s1] =	ssyncadd.s32 $0xFFFFE000;
	(pc) =	sbr.rel @p0 .LBB2_1-.Ltmp1, $4  }
0xbc: {  	[hbm4b:s6+s2] =	stream.linear.scatter [tilespmem:s21], [sflag:$0x4], $0xA000, $0x38;
	[tilespmem:$0x1A400] =	vst v63  }
0xbd: {  	_ =	swait.ge [sflag:s14], $0xA000  }
0xbe: {  	[sflag:s14] =	ssyncset.done $0x0  }
0xbf: {  	[sflag:s14] =	ssyncadd.s32 $0xFFFF6000  }
0xc0: {  	_ =	sfence.sel $0x180000  }
0xc1: {  	[bflag:$0x0] =	sbarrier.arrive $0xFFFF  }
0xc2: {  	_ =	strace $0x90000047  }
0xc3: {  	s0 =	stileid.u32;
	[bflag:$0x2] =	sbarrier.arrive $0xFFFF  }
0xc4: {  	p0 =	sne.s32 s0, $0x0;
	s0 =	rddreg [dreg:$0x2]  }
0xc5: {  	s0 =	sadd.s32 @!p0 $0x100000, s0  }
0xc6: {  	[sflag:s0] =	ssyncadd.tile.s32 @!p0 $0x1;
	_ =	shalt  }
.Lfunc_end2:
_tile_overlayer_lowered:
.L_overlay_start_2:
0xc7: {  	(tag) =	ssettag $0x2  }
0xc8: {  	s0 =	rddreg [dreg:$0x0];
	s2 =	stileid.u32  }
0xc9: {  	s1 =	rddreg [dreg:$0x1];
	p0 =	sne.s32 s2, $0x0  }
0xca: {  	s3 =	rddreg [dreg:$0x2];
	[bflag:$0x3] =	sbarrier.arrive $0xFFFF;
	s2 =	simm.s32 @!p0 $0x1C05  }
0xcb: {  	[timem:s3], [sflag:s2] =	dma.local @!p0 [hbm:s0], s1  }
0xcc: {  	s0 =	simm.s32 @!p0 $0x5  }
0xcd: {  	_ =	swait.ge @!p0 [sflag:s0], s1  }
0xce: {  	s1 =	ssub.s32 @!p0 $0x0, s1;
	[sflag:s0] =	ssyncset.done @!p0 $0x0  }
0xcf: {  	[sflag:s0] =	ssyncadd.s32 @!p0 s1  }
0xd0: {  	[bflag:$0x3] =	sbarrier.arrive $0xFFFF  }
0xd1: {  	_ =	shalt  }

// kernel: sparse-core-data-format-call.cloned.1.call-start
scs
called_computation_lowered:
.L_overlay_start_0:
0x0: {  	s2 =	sld [smem:$0x3FD9]  }
0x1: {  	s3 =	sld [smem:$0x3FFE];
	_ =	sdelay $0x1  }
0x2: {  	s1 =	srdreg.scid  }
0x3: {  	s0 =	sand.u32 $0x1, s1  }
0x4: {  	s18 =	sshll.u32 s0, $0xA;
	s2 =	sadd.s32 s3, s2  }
0x5: {  	s2 =	sadd.s32 s2, s18  }
0x6: {  	[smem:$0x3FC6] =	sst s2  }
0x7: {  	_ = 	snop  }
0x8: {  	s2 =	sld [smem:$0x3FD0];
	(tm) =	ssettm $0x1  }
0x9: {  	s19 =	sld [smem:$0x3FFB];
	_ =	sdelay $0x3  }
0xa: {  	_ =	strace s19  }
0xb: {  	s3 =	sld [smem:$0x3FFC];
	_ =	sdelay $0x3  }
0xc: {  	_ =	strace s3  }
0xd: {  	s3 =	sld [smem:$0x3FFD];
	_ =	sdelay $0x3  }
0xe: {  	_ =	strace s3  }
0xf: {  	_ =	strace $0x8FFFFFFF  }
0x10: {  	s20 =	sld [smem:$0x3FDB];
	_ =	sdelay $0x1  }
0x11: {  	s4 =	simm.s32 $_scs_section_size  }
0x12: {  	s5 =	simm.s32 $_size__tile_overlayer_lowered;
	s6 =	simm.s32 $_tile_overlayer_lowered  }
0x13: {  	s23 =	simm.s32 $0x1BFF;
	s22 =	sshll.u32 s6, $0x1;
	s3 =	sadd.s32 s4, s20  }
0x14: {  	s7 =	simm.s32 $0x0;
	s21 =	sshll.u32 s5, $0x1;
	s5 =	sadd.s32 s22, s3  }
0x15: {  	[timem:s7], [sflag:s23] =	dma.local [hbm:s5], s21  }
0x16: {  	_ =	swait.ge [sflag:s23], s21  }
0x17: {  	s4 =	ssub.s32 $0x0, s21;
	[sflag:s23] =	ssyncset.done $0x0  }
0x18: {  	[sflag:s23] =	ssyncadd.s32 s4;
	_ =	sdelay $0x1  }
0x19: {  	s24 =	simm.s32 $0x1B8B  }
0x1a: {  	_ =	swait.ge [sflag:s24], $0x1  }
0x1b: {  	[sflag:s24] =	ssyncset.done $0x0  }
0x1c: {  	s26 =	simm.s32 $0x1B8E;
	s25 =	sld [smem:$0x3FFE];
	[sflag:s24] =	ssyncadd.s32 $0xFFFFFFFF  }
0x1d: {  	s27 =	simm.s32 $execute0_lowered;
	[smem:$0x3FD2] =	sst s26  }
0x1e: {  	s5 =	sshll.u32 s27, $0x1;
	_ =	strace $0x80000049;
	[dreg:$0x1] =	wrdreg $0xFFFFFFFF  }
0x1f: {  	s28 =	simm.s32 $_size_execute0_lowered;
	s3 =	sadd.s32 s3, s5;
	[dreg:$0x0] =	wrdreg $0x0  }
0x20: {  	s5 =	sshll.u32 s28, $0x1;
	[dreg:$0x2] =	wrdreg s3  }
0x21: {  	[dreg:$0x3] =	wrdreg s5  }
0x22: {  	[dreg:$0x4] =	wrdreg $0xC0  }
0x23: {  	_ =	task [dreg:s7], $0x5FFFF  }
0x24: {  	[dreg:$0x1] =	wrdreg $0xFFFFFFFF  }
0x25: {  	[dreg:$0x0] =	wrdreg $0x60  }
0x26: {  	[dreg:$0x2] =	wrdreg s25  }
0x27: {  	[dreg:$0x3] =	wrdreg s2  }
0x28: {  	[dreg:$0x4] =	wrdreg $0x9  }
0x29: {  	_ =	task.clear_ibuf [dreg:s7], $0x5FFFF;
	_ =	strace $0x90000049  }
0x2a: {  	s29 =	simm.s32 $0x9;
	_ =	strace $0x8000004B  }
0x2b: {  	_ =	swait.ge [sflag:s29], $0x1  }
0x2c: {  	[sflag:s29] =	ssyncadd.s32 $0xFFFFFFFF  }
0x2d: {  	_ =	strace $0x9000004B  }
0x2e: {  	_ =	sfence  }
0x2f: {  	s30 =	sld [smem:$0x0];
	_ =	sdelay $0x2  }
0x30: {  	s31 =	sshll.u32 s1, $0xD;
	s1 =	sshrl.u32 s1, $0x2  }
0x31: {  	s3 =	sand.u32 $0x4000, s31;
	s1 =	sadd.s32 s1, s30  }
0x32: {  	s0 =	sor.u32 s3, s0;
	s1 =	sshll.u32 s1, $0x11  }
0x33: {  	s0 =	sor.u32 s1, s0  }
0x34: {  	s0 =	sadd.s32 $0x8F2B, s0  }
0x35: {  	[sflag:s0] =	ssyncadd.remote.s32 $0x1  }
0x36: {  	_ =	sfence.sel $0xFFFF  }
0x37: {  	[dreg:$0x0] =	wrdreg $0xFFFFFFFF;
	(pc) =	sbr.abs _section_cstart, $3  }
0x38: {  	[dreg:$0x1] =	wrdreg $0xFFFFFFFF  }
0x39: {  	_ =	task.clear_ibuf [dreg:s7], $0x2FFFF;
	_ =	strace $0x9FFFFFFF  }
0x3a: {  	(tm) =	ssettm $0x7FFFFFFF  }
0x3b: {  	_ =	shalt  }
tec
execute0_lowered:
.L_overlay_start_1:
0x0: {  	(tag) =	ssettag $0x1  }
0x1: {  	s0 =	srdreg.scid  }
0x2: {  	s1 =	sshll.u32 s0, $0x4  }
0x3: {  	s0 =	stileid.u32;
	s1 =	sand.u32 $0x10, s1  }
0x4: {  	s1 =	sor.u32 s0, s1  }
0x5: {  	s6 =	rddreg [dreg:$0x0];
	s4 =	simm.s32 $0x1;
	s2 =	sshll.u32 s1, $0x7  }
0x6: {  	s7 =	simm.s32 $0x2;
	s12 =	simm.s32 $0x0;
	s1 =	ssub.s32 $0x4000, s2  }
0x7: {  	s8 =	simm.s32 $0x20000;
	s13 =	simm.s32 $0x0;
	s3 =	sand.u32 $0xF80, s1  }
0x8: {  	s9 =	simm.s32 $0x0;
	s5 =	sshrl.u32 s1, $0xC;
	p0 =	sne.s32 s3, $0x0  }
.Ltmp0:
0x9: {  	s1 =	rddreg [dreg:$0x2];
	s4 =	simm.s32 @!p0 $0x0;
	(pc) =	sbr.rel .LBB1_1-.Ltmp0, $4  }
0xa: {  	s11 =	simm.s32 $0x0;
	s3 =	rddreg [dreg:$0x1];
	s5 =	sadd.s32 s4, s5  }
0xb: {  	_ =	strace $0x8000004A;
	s4 =	simm.s32 $0x1;
	s5 =	smul.u32 $0x32, s5  }
0xc: {  	s6 =	sadd.s32 $0xA00, s6;
	s10 =	smov.u32 s2;
	[sflag:s4] =	ssyncpa.u1 $0x0  }
0xd: {  	p0 =	por $0x0, $0x0;
	[sflag:s7] =	ssyncpa.u1 $0x0;
	s7 =	sor.u32 $0x1, s5  }
.LBB1_4:
0xe: {  	s16 =	sshll.u32 s13, $0x3;
	s17 =	sand.u32 $0x78, s13  }
0xf: {  	s30 =	sand.u32 $0x1F800, s13;
	s12 =	sshll.u32 s12, $0x11;
	s16 =	sand.u32 $0x3C00, s16  }
0x10: {  	[tilespmem:s15+$0x810 ss:$0x81] =	vst.msk $0xffff, v2;
	s31 =	sand.u32 $0x7, s13;
	s16 =	sor.u32 s17, s16;
	s17 =	sadd.s32 s3, s30  }
0x11: {  	[tilespmem:s15+$0x1020 ss:$0x81] =	vst.msk $0xffff, v0;
	s13 =	sshll.u32 s31, $0x12;
	s12 =	sadd.s32 s12, s17;
	s16 =	sshrl.u32 s16, $0x3  }
0x12: {  	[tilespmem:s15+$0x0 ss:$0x81] =	vst.msk $0xffff, v1;
	s13 =	sor.u32 $0x400, s13;
	s12 =	sadd.s32 s16, s12  }
0x13: {  	[hbm4b:s12+s13] =	stream.strided.scatter [tilespmem:s14], [sflag:$0x2], $0x2000, s8, s13, $0x20;
	[tilespmem:$0x8080] =	vst v63  }
.LBB1_5:
0x14: {  	s14 =	sadd.s32 $0x1, s9  }
0x15: {  	s12 =	sadd.s32 $0x1000, s10;
	s16 =	smov.u32 s10;
	p2 =	sgt.s32 s14, $0x31  }
0x16: {  	s16 =	smov.u32 @p2 s12  }
0x17: {  	s14 =	simm.s32 @p2 $0x0;
	p2 =	sgt.s32 s16, $0x3FFF  }
0x18: {  	s16 =	smov.u32 @p2 s2;
	p2 =	sne.s32 s11, s7  }
.Ltmp1:
0x19: {  	p1 =	slt.u32 s11, $0x2;
	(pc) =	sbr.rel @!p2 .LBB1_6-.Ltmp1, $4  }
0x1a: {  	s15 =	simm.s32 @!p1 $0x2  }
0x1b: {  	s13 =	smov.u32 s10;
	p0 =	por !p0, !p0;
	_ =	swait.ge @!p1 [sflag:s15], $0x2000  }
0x1c: {  	s12 =	smov.u32 s9;
	[sflag:s15] =	ssyncset.done @!p1 $0x0;
	s9 =	smov.u32 s14  }
0x1d: {  	s11 =	sadd.s32 $0x1, s11;
	[sflag:s15] =	ssyncadd.s32 @!p1 $0xFFFFE000;
	s10 =	smov.u32 s16  }
.LBB1_1:
0x1e: {  	p1 =	sge.u32 s11, s5  }
0x1f: {  	s14 =	sand.u32 @!p1 $0x1FFFFFF, s9  }
0x20: {  	s15 =	smulhi.u32 @!p1 $0x4924925, s14;
	_ =	sdelay $0x1  }
0x21: {  	s15 =	smul.u32 @!p1 $0x38, s15  }
0x22: {  	s16 =	sxor.u32 @!p1 $0xFFFFFFFF, s11;
	s17 =	smul.u32 @!p1 $0x380, s10  }
0x23: {  	s31 =	sadd.s32 $0xFFFFFFFF, s11;
	s16 =	sshll.u32 @!p1 s16, $0xD;
	s14 =	ssub.s32 @!p1 s14, s15  }
0x24: {  	s15 =	sand.u32 @!p1 $0x2000, s16;
	s16 =	sadd.s32 @!p1 s6, s17;
	s14 =	sshll.u32 @!p1 s14, $0x4  }
0x25: {  	s17 =	simm.s32 @!p1 $0x1C00;
	s14 =	sadd.s32 @!p1 s14, s16;
	s16 =	simm.s32 @!p1 $0x40  }
0x26: {  	[tilespmem:s15], [sflag:$0x1] =	stream.strided.gather @!p1 [hbm4b:s14+s16], $0x2000, s17, s16, $0x38;
	[tilespmem:$0x8080] =	vst v63  }
0x27: {  	p1 =	sge.u32 s31, s5  }
.Ltmp2:
0x28: {  	_ = 	snop;
	(pc) =	sbr.rel @p1 .LBB1_5-.Ltmp2, $1  }
0x29: {  	_ =	sdelay $0x3  }
0x2a: {  	s14 =	simm.s32 $0x1  }
0x2b: {  	_ =	swait.ge [sflag:s4], $0x2000;
	s14 =	simm.s32 @!p0 $0x0  }
0x2c: {  	[sflag:s4] =	ssyncset.done $0x0;
	s15 =	sshll.u32 s14, $0xD  }
0x2d: {  	[sflag:s4] =	ssyncadd.s32 $0xFFFFE000;
	s18 =	sor.u32 $0x20, s15  }
0x2e: {  	s14 =	smul.u32 $0x8100, s14;
	v3 =	vld [tilespmem:s18+$0x10]  }
0x2f: {  	s30 =	sand.u32 $0x1, s11;
	v2 =	vld [tilespmem:s18+$0xFFFFFFF0]  }
0x30: {  	s15 =	smul.u32 $0x8100, s30;
	s14 =	sshrl.u32 s14, $0x2;
	v0 =	vld [tilespmem:s18+$0x0]  }
0x31: {  	v1 =	vld [tilespmem:s18+$0xFFFFFFE0];
	s16 =	sor.u32 $0x4000, s14  }
0x32: {  	s31 =	sshrl.u32 s15, $0x2;
	s15 =	sadd.s32 $0x0, s16  }
0x33: {  	s17 =	simm.s32 $0x4;
	s18 =	sadd.s32 $0x40, s18;
	s14 =	sor.u32 $0x4000, s31;
	[tilespmem:s15+$0x1830 ss:$0x81] =	vst.msk $0xffff, v3  }
.LBB1_3:
0x34: {  	v3 =	vld [tilespmem:s18+$0x10];
	p1 =	sne.s32 s17, $0x1FC;
	[tilespmem:s15+$0x810 ss:$0x81] =	vst.msk $0xffff, v2;
	s19 =	smov.u32 s17;
	s17 =	sadd.s32 $0x4, s17  }
.Ltmp3:
0x35: {  	v2 =	vld [tilespmem:s18+$0xFFFFFFF0];
	[tilespmem:s15+$0x1020 ss:$0x81] =	vst.msk $0xffff, v0;
	(pc) =	sbr.rel @p1 .LBB1_3-.Ltmp3, $4  }
0x36: {  	v0 =	vld [tilespmem:s18+$0x0];
	[tilespmem:s15+$0x0 ss:$0x81] =	vst.msk $0xffff, v1  }
0x37: {  	s15 =	sshra.s32 s19, $0x2;
	v1 =	vld [tilespmem:s18+$0xFFFFFFE0]  }
0x38: {  	s15 =	sadd.s32 s15, s16  }
0x39: {  	s18 =	sadd.s32 $0x40, s18;
	[tilespmem:s15+$0x1830 ss:$0x81] =	vst.msk $0xffff, v3  }
.Ltmp4:
0x3a: {  	_ = 	snop;
	(pc) =	sbr.rel .LBB1_4-.Ltmp4, $1  }
0x3b: {  	_ =	sdelay $0x3  }
.LBB1_6:
0x3c: {  	_ =	sfence.sel $0x180000  }
0x3d: {  	s2 =	simm.s32 $0x1;
	[bflag:$0x0] =	sbarrier.arrive $0xFFFF  }
0x3e: {  	s31 =	simm.s32 $0x2;
	[sflag:s2] =	ssyncpa.u1 $0x1  }
0x3f: {  	[sflag:s31] =	ssyncpa.u1 $0x1  }
0x40: {  	p0 =	sne.s32 s0, $0x0;
	_ =	strace $0x9000004A  }
0x41: {  	s0 =	sadd.s32 @!p0 $0x100000, s1;
	[bflag:$0x2] =	sbarrier.arrive $0xFFFF  }
0x42: {  	[sflag:s0] =	ssyncadd.tile.s32 @!p0 $0x1;
	_ =	shalt  }
.Lfunc_end1:
_tile_overlayer_lowered:
.L_overlay_start_2:
0x43: {  	(tag) =	ssettag $0x2  }
0x44: {  	s0 =	rddreg [dreg:$0x0];
	s2 =	stileid.u32  }
0x45: {  	s1 =	rddreg [dreg:$0x1];
	p0 =	sne.s32 s2, $0x0  }
0x46: {  	s3 =	rddreg [dreg:$0x2];
	[bflag:$0x3] =	sbarrier.arrive $0xFFFF;
	s2 =	simm.s32 @!p0 $0x1C01  }
0x47: {  	[timem:s3], [sflag:s2] =	dma.local @!p0 [hbm:s0], s1  }
0x48: {  	s0 =	simm.s32 @!p0 $0x1  }
0x49: {  	_ =	swait.ge @!p0 [sflag:s0], s1  }
0x4a: {  	s1 =	ssub.s32 @!p0 $0x0, s1;
	[sflag:s0] =	ssyncset.done @!p0 $0x0  }
0x4b: {  	[sflag:s0] =	ssyncadd.s32 @!p0 s1  }
0x4c: {  	[bflag:$0x3] =	sbarrier.arrive $0xFFFF  }
0x4d: {  	_ =	shalt  }

</sc_bundles>
